<compile_context>
chip_gen: v7x
topology: tpu7x:2x2x1
jax: 0.10.2.dev20260603
libtpu: 0.0.44.dev20260713+nightly
codegen_flags: <defaults>
</compile_context>

<pallas_src>
import functools

import jax
import jax.numpy as jnp
from jax import lax
from jax.experimental import pallas as pl
from jax.experimental.pallas import tpu as pltpu
from jax.experimental.pallas import tpu_sc as plsc

NUM_BINS = 256
LANES = 16
CHUNK = 32768
UNROLL = 16
NPAIR = 6
PAD = 16
BANK = PAD + LANES * NUM_BINS + 16


def _make_kernel(rows, cols):
    n_chunks = cols // CHUNK
    assert n_chunks % 2 == 0
    mesh = plsc.VectorSubcoreMesh(core_axis_name="c", subcore_axis_name="s")

    @functools.partial(
        pl.kernel,
        out_type=jax.ShapeDtypeStruct((rows, NUM_BINS), jnp.float32),
        mesh=mesh,
        scratch_types=[
            pltpu.VMEM((CHUNK,), jnp.float32),
            pltpu.VMEM((CHUNK,), jnp.float32),
        ] + [pltpu.VMEM((BANK,), jnp.float32)] * (2 * NPAIR) + [
            pltpu.VMEM((NUM_BINS,), jnp.float32),
            pltpu.SemaphoreType.DMA,
            pltpu.SemaphoreType.DMA,
        ],
        compiler_params=pltpu.CompilerParams(needs_layout_passes=False),
    )
    def hist_kernel(x_hbm, out_hbm, buf0, buf1, *rest):
        c_banks = rest[:NPAIR]
        s_banks = rest[NPAIR:2 * NPAIR]
        row_buf, sem0, sem1 = rest[2 * NPAIR:]
        row = lax.axis_index("s") * mesh.num_cores + lax.axis_index("c")

        zeros = jnp.zeros((LANES,), jnp.float32)
        ones = jnp.ones((LANES,), jnp.float32)

        def start_dma(k, buf, sem):
            return pltpu.async_copy(
                x_hbm.at[row, pl.ds(k * CHUNK, CHUNK)], buf, sem)

        start_dma(0, buf0, sem0)
        start_dma(1, buf1, sem1)

        def zero_body(i, _):
            for a in c_banks + s_banks:
                a[pl.ds(i * 2 * LANES, LANES)] = zeros
                a[pl.ds(i * 2 * LANES + LANES, LANES)] = zeros
            return 0
        lax.fori_loop(0, BANK // (2 * LANES), zero_body, 0)

        lane_pad = lax.iota(jnp.int32, LANES) + PAD

        def wait_dma(buf, sem):
            pltpu.make_async_copy(
                x_hbm.at[row, pl.ds(0, CHUNK)], buf, sem).wait()

        def do_scatters(idxs, fracs):
            for j in range(UNROLL):
                plsc.addupdate_scatter(c_banks[j % NPAIR], [idxs[j]], ones)
                plsc.addupdate_scatter(s_banks[j % NPAIR], [idxs[j]],
                                       fracs[j])

        def process_chunk(buf):
            def body(i, _):
                base = i * (LANES * UNROLL)
                vs = [buf[pl.ds(base + j * LANES, LANES)]
                      for j in range(UNROLL)]
                ibs = [v.astype(jnp.int32) for v in vs]
                idxs = [(ib << 4) + lane_pad for ib in ibs]
                fracs = [v - ib.astype(jnp.float32)
                         for v, ib in zip(vs, ibs)]
                do_scatters(idxs, fracs)
                return 0
            lax.fori_loop(0, CHUNK // (LANES * UNROLL), body, 0)

        def chunk_body(g, _):
            k = 2 * g
            wait_dma(buf0, sem0)
            process_chunk(buf0)

            @pl.when(k + 2 < n_chunks)
            def _():
                start_dma(k + 2, buf0, sem0)

            wait_dma(buf1, sem1)
            process_chunk(buf1)

            @pl.when(k + 3 < n_chunks)
            def _():
                start_dma(k + 3, buf1, sem1)
            return 0
        lax.fori_loop(0, n_chunks // 2, chunk_body, 0)

        lane0 = lax.iota(jnp.int32, LANES) == 0

        def reduce_body(i, carry):
            s_prev = carry
            j0 = i * 2
            sums = []
            for d in range(2):
                c_cur = zeros
                s_cur = zeros
                off = PAD + (j0 + d) * LANES
                for cb in c_banks:
                    c_cur = c_cur + cb[pl.ds(off, LANES)]
                for sb in s_banks:
                    s_cur = s_cur + sb[pl.ds(off, LANES)]
                sums.append(jnp.sum(c_cur - s_cur + s_prev))
                s_prev = s_cur
            for d in range(2):
                total = jnp.full((LANES,), sums[d])
                jidx = jnp.full((LANES,), j0 + d, jnp.int32)
                plsc.store_scatter(row_buf, [jidx], total, mask=lane0)
            return s_prev
        lax.fori_loop(0, NUM_BINS // 2, reduce_body, zeros)

        pltpu.sync_copy(row_buf, out_hbm.at[row])

    return hist_kernel


@jax.jit
def kernel(x):
    rows, cols = x.shape
    return _make_kernel(rows, cols)(x)

# --- scband reference (transcript-rebuilt; emitter-appended) ---
"""Pipeline reference for scband-uniform-histogram-5007931867365 (READ-ONLY COPY).

The authoritative reference and input builder live on the scoring server;
editing this copy changes nothing except your own understanding.
"""

import jax, jax.numpy as jnp
import numpy as np


def setup_inputs(seed: int = 0) -> dict:
    key = jax.random.key(seed)
    # x must lie in [0, num_bins - 1) = [0, 255); scale uniform [0,1) samples to [0, 254)
    x = jax.random.uniform(key, (32, 1048576), dtype=jnp.float32) * 254.0
    return {"x": x}


def reference(x):
    # UniformHistogram(num_bins=256, min=0.0, max=255.0) -> bin_width = 1.0, bandwidth = 1.0,
    # kernel='triangular', mass=False, hard=False. x - self.min == x since min == 0.0.
    num_bins = 256
    bandwidth = 1.0
    num_nearest_bins = 2
    bin_offsets = jnp.arange(num_nearest_bins, dtype=x.dtype)
    bin_centers = jnp.floor(x)[..., None] + bin_offsets  # [..., N, 2]
    indexes = bin_centers.astype(jnp.int32)
    u = (x[..., None] - bin_centers) / bandwidth
    # triangular kernel
    y = jnp.clip(1.0 - jnp.abs(u), 0.0, None)
    # scatter-add along the last axis into num_bins buckets
    flat_idx = indexes.reshape(x.shape[:-1] + (-1,))
    flat_y = y.reshape(x.shape[:-1] + (-1,))
    rows = jnp.arange(x.shape[0])[:, None]
    hist = jnp.zeros((x.shape[0], num_bins), dtype=x.dtype)
    hist = hist.at[rows, flat_idx].add(flat_y)
    return hist

if __name__ == "__main__":
    import jax
    _d = setup_inputs()
    print(jax.jit(kernel)(*tuple(_d.values())))

</pallas_src>

<mosaic_0001>
#map = affine_map<(d0, d1) -> (0, 0)>
module attributes {stable_mosaic.version = 14 : i64} {
  func.func @hist_kernel(%arg0: i32, %arg1: i32, %arg2: memref<32x1048576xf32, #tpu.memory_space<hbm>>, %arg3: memref<32x256xf32, #tpu.memory_space<hbm>>, %arg4: memref<32768xf32, #tpu.memory_space<vmem>>, %arg5: memref<32768xf32, #tpu.memory_space<vmem>>, %arg6: memref<4128xf32, #tpu.memory_space<vmem>>, %arg7: memref<4128xf32, #tpu.memory_space<vmem>>, %arg8: memref<4128xf32, #tpu.memory_space<vmem>>, %arg9: memref<4128xf32, #tpu.memory_space<vmem>>, %arg10: memref<4128xf32, #tpu.memory_space<vmem>>, %arg11: memref<4128xf32, #tpu.memory_space<vmem>>, %arg12: memref<4128xf32, #tpu.memory_space<vmem>>, %arg13: memref<4128xf32, #tpu.memory_space<vmem>>, %arg14: memref<4128xf32, #tpu.memory_space<vmem>>, %arg15: memref<4128xf32, #tpu.memory_space<vmem>>, %arg16: memref<4128xf32, #tpu.memory_space<vmem>>, %arg17: memref<4128xf32, #tpu.memory_space<vmem>>, %arg18: memref<256xf32, #tpu.memory_space<vmem>>, %arg19: memref<!tpu.dma_semaphore, #tpu.memory_space<semaphore_mem>>, %arg20: memref<!tpu.dma_semaphore, #tpu.memory_space<semaphore_mem>>) attributes {dimension_semantics = [#tpu.dimension_semantics<core_parallel>, #tpu.dimension_semantics<subcore_parallel>], iteration_bounds = array<i64: 2, 16>, scalar_prefetch = 0 : i64, scratch_operands = 17 : i64, tpu.core_type = #tpu.core_type<sc_vector_subcore>, window_params = [{transform_indices = #map}, {transform_indices = #map}]} {
    %mul3A = arith.constant 2 : i32
    %mul3A_0 = arith.muli %arg1, %mul3A : i32
    %add3A = arith.addi %mul3A_0, %arg0 : i32
    %broadcast_in_dim3A = arith.constant 0.000000e+00 : f32
    %broadcast_in_dim3A_1 = vector.broadcast %broadcast_in_dim3A : f32 to vector<16xf32>
    %broadcast_in_dim3A_2 = arith.constant 1.000000e+00 : f32
    %broadcast_in_dim3A_3 = vector.broadcast %broadcast_in_dim3A_2 : f32 to vector<16xf32>
    %dma_start3A = arith.constant 0 : i32
    %dma_start3A_4 = tpu.memref_slice %arg2[%add3A, %dma_start3A] : memref<32x1048576xf32, #tpu.memory_space<hbm>> -> memref<1x32768xf32, #tpu.memory_space<hbm>>
    %dma_start3A_5 = tpu.memref_squeeze %dma_start3A_4 : memref<1x32768xf32, #tpu.memory_space<hbm>> -> memref<32768xf32, #tpu.memory_space<hbm>>
    %dma_start3A_6 = arith.constant 0 : i32
    %dma_start3A_7 = tpu.memref_slice %arg2[%add3A, %dma_start3A_6] : memref<32x1048576xf32, #tpu.memory_space<hbm>> -> memref<1x32768xf32, #tpu.memory_space<hbm>>
    %dma_start3A_8 = tpu.memref_squeeze %dma_start3A_7 : memref<1x32768xf32, #tpu.memory_space<hbm>> -> memref<32768xf32, #tpu.memory_space<hbm>>
    tpu.enqueue_dma source(%dma_start3A_8 : memref<32768xf32, #tpu.memory_space<hbm>>) target(%arg4 : memref<32768xf32, #tpu.memory_space<vmem>>) target_semaphore(%arg19 : memref<!tpu.dma_semaphore, #tpu.memory_space<semaphore_mem>>)
    %dma_start3A_9 = arith.constant 32768 : i32
    %dma_start3A_10 = tpu.memref_slice %arg2[%add3A, %dma_start3A_9] : memref<32x1048576xf32, #tpu.memory_space<hbm>> -> memref<1x32768xf32, #tpu.memory_space<hbm>>
    %dma_start3A_11 = tpu.memref_squeeze %dma_start3A_10 : memref<1x32768xf32, #tpu.memory_space<hbm>> -> memref<32768xf32, #tpu.memory_space<hbm>>
    %dma_start3A_12 = arith.constant 32768 : i32
    %dma_start3A_13 = tpu.memref_slice %arg2[%add3A, %dma_start3A_12] : memref<32x1048576xf32, #tpu.memory_space<hbm>> -> memref<1x32768xf32, #tpu.memory_space<hbm>>
    %dma_start3A_14 = tpu.memref_squeeze %dma_start3A_13 : memref<1x32768xf32, #tpu.memory_space<hbm>> -> memref<32768xf32, #tpu.memory_space<hbm>>
    tpu.enqueue_dma source(%dma_start3A_14 : memref<32768xf32, #tpu.memory_space<hbm>>) target(%arg5 : memref<32768xf32, #tpu.memory_space<vmem>>) target_semaphore(%arg20 : memref<!tpu.dma_semaphore, #tpu.memory_space<semaphore_mem>>)
    %scan3A = arith.constant 0 : i32
    %scan3A_15 = arith.constant 0 : i32
    %scan3A_16 = arith.constant 129 : i32
    %scan3A_17 = arith.addi %scan3A_15, %scan3A_16 : i32
    %scan3A_18 = arith.constant 1 : i32
    %scan3A_19 = scf.for %scan3A_40 = %scan3A_15 to %scan3A_17 step %scan3A_18 iter_args(%scan3A_41 = %scan3A) -> (i32)  : i32 {
      %mul3A_42 = arith.constant 2 : i32
      %mul3A_43 = arith.muli %scan3A_40, %mul3A_42 : i32
      %mul3A_44 = arith.constant 16 : i32
      %mul3A_45 = arith.muli %mul3A_43, %mul3A_44 : i32
      %swap3A = arith.index_cast %mul3A_45 : i32 to index
      %swap3A_46 = tpu.vector_load %arg6[%swap3A] {strides = array<i32>} : memref<4128xf32, #tpu.memory_space<vmem>>, vector<16xf32>,
      tpu.vector_store %arg6[%swap3A], %broadcast_in_dim3A_1 {strides = array<i32>} : memref<4128xf32, #tpu.memory_space<vmem>>, vector<16xf32>,
      %mul3A_47 = arith.constant 2 : i32
      %mul3A_48 = arith.muli %scan3A_40, %mul3A_47 : i32
      %mul3A_49 = arith.constant 16 : i32
      %mul3A_50 = arith.muli %mul3A_48, %mul3A_49 : i32
      %add3A_51 = arith.constant 16 : i32
      %add3A_52 = arith.addi %mul3A_50, %add3A_51 : i32
      %swap3A_53 = arith.index_cast %add3A_52 : i32 to index
      %swap3A_54 = tpu.vector_load %arg6[%swap3A_53] {strides = array<i32>} : memref<4128xf32, #tpu.memory_space<vmem>>, vector<16xf32>,
      tpu.vector_store %arg6[%swap3A_53], %broadcast_in_dim3A_1 {strides = array<i32>} : memref<4128xf32, #tpu.memory_space<vmem>>, vector<16xf32>,
      %mul3A_55 = arith.constant 2 : i32
      %mul3A_56 = arith.muli %scan3A_40, %mul3A_55 : i32
      %mul3A_57 = arith.constant 16 : i32
      %mul3A_58 = arith.muli %mul3A_56, %mul3A_57 : i32
      %swap3A_59 = arith.index_cast %mul3A_58 : i32 to index
      %swap3A_60 = tpu.vector_load %arg7[%swap3A_59] {strides = array<i32>} : memref<4128xf32, #tpu.memory_space<vmem>>, vector<16xf32>,
      tpu.vector_store %arg7[%swap3A_59], %broadcast_in_dim3A_1 {strides = array<i32>} : memref<4128xf32, #tpu.memory_space<vmem>>, vector<16xf32>,
      %mul3A_61 = arith.constant 2 : i32
      %mul3A_62 = arith.muli %scan3A_40, %mul3A_61 : i32
      %mul3A_63 = arith.constant 16 : i32
      %mul3A_64 = arith.muli %mul3A_62, %mul3A_63 : i32
      %add3A_65 = arith.constant 16 : i32
      %add3A_66 = arith.addi %mul3A_64, %add3A_65 : i32
      %swap3A_67 = arith.index_cast %add3A_66 : i32 to index
      %swap3A_68 = tpu.vector_load %arg7[%swap3A_67] {strides = array<i32>} : memref<4128xf32, #tpu.memory_space<vmem>>, vector<16xf32>,
      tpu.vector_store %arg7[%swap3A_67], %broadcast_in_dim3A_1 {strides = array<i32>} : memref<4128xf32, #tpu.memory_space<vmem>>, vector<16xf32>,
      %mul3A_69 = arith.constant 2 : i32
      %mul3A_70 = arith.muli %scan3A_40, %mul3A_69 : i32
      %mul3A_71 = arith.constant 16 : i32
      %mul3A_72 = arith.muli %mul3A_70, %mul3A_71 : i32
      %swap3A_73 = arith.index_cast %mul3A_72 : i32 to index
      %swap3A_74 = tpu.vector_load %arg8[%swap3A_73] {strides = array<i32>} : memref<4128xf32, #tpu.memory_space<vmem>>, vector<16xf32>,
      tpu.vector_store %arg8[%swap3A_73], %broadcast_in_dim3A_1 {strides = array<i32>} : memref<4128xf32, #tpu.memory_space<vmem>>, vector<16xf32>,
      %mul3A_75 = arith.constant 2 : i32
      %mul3A_76 = arith.muli %scan3A_40, %mul3A_75 : i32
      %mul3A_77 = arith.constant 16 : i32
      %mul3A_78 = arith.muli %mul3A_76, %mul3A_77 : i32
      %add3A_79 = arith.constant 16 : i32
      %add3A_80 = arith.addi %mul3A_78, %add3A_79 : i32
      %swap3A_81 = arith.index_cast %add3A_80 : i32 to index
      %swap3A_82 = tpu.vector_load %arg8[%swap3A_81] {strides = array<i32>} : memref<4128xf32, #tpu.memory_space<vmem>>, vector<16xf32>,
      tpu.vector_store %arg8[%swap3A_81], %broadcast_in_dim3A_1 {strides = array<i32>} : memref<4128xf32, #tpu.memory_space<vmem>>, vector<16xf32>,
      %mul3A_83 = arith.constant 2 : i32
      %mul3A_84 = arith.muli %scan3A_40, %mul3A_83 : i32
      %mul3A_85 = arith.constant 16 : i32
      %mul3A_86 = arith.muli %mul3A_84, %mul3A_85 : i32
      %swap3A_87 = arith.index_cast %mul3A_86 : i32 to index
      %swap3A_88 = tpu.vector_load %arg9[%swap3A_87] {strides = array<i32>} : memref<4128xf32, #tpu.memory_space<vmem>>, vector<16xf32>,
      tpu.vector_store %arg9[%swap3A_87], %broadcast_in_dim3A_1 {strides = array<i32>} : memref<4128xf32, #tpu.memory_space<vmem>>, vector<16xf32>,
      %mul3A_89 = arith.constant 2 : i32
      %mul3A_90 = arith.muli %scan3A_40, %mul3A_89 : i32
      %mul3A_91 = arith.constant 16 : i32
      %mul3A_92 = arith.muli %mul3A_90, %mul3A_91 : i32
      %add3A_93 = arith.constant 16 : i32
      %add3A_94 = arith.addi %mul3A_92, %add3A_93 : i32
      %swap3A_95 = arith.index_cast %add3A_94 : i32 to index
      %swap3A_96 = tpu.vector_load %arg9[%swap3A_95] {strides = array<i32>} : memref<4128xf32, #tpu.memory_space<vmem>>, vector<16xf32>,
      tpu.vector_store %arg9[%swap3A_95], %broadcast_in_dim3A_1 {strides = array<i32>} : memref<4128xf32, #tpu.memory_space<vmem>>, vector<16xf32>,
      %mul3A_97 = arith.constant 2 : i32
      %mul3A_98 = arith.muli %scan3A_40, %mul3A_97 : i32
      %mul3A_99 = arith.constant 16 : i32
      %mul3A_100 = arith.muli %mul3A_98, %mul3A_99 : i32
      %swap3A_101 = arith.index_cast %mul3A_100 : i32 to index
      %swap3A_102 = tpu.vector_load %arg10[%swap3A_101] {strides = array<i32>} : memref<4128xf32, #tpu.memory_space<vmem>>, vector<16xf32>,
      tpu.vector_store %arg10[%swap3A_101], %broadcast_in_dim3A_1 {strides = array<i32>} : memref<4128xf32, #tpu.memory_space<vmem>>, vector<16xf32>,
      %mul3A_103 = arith.constant 2 : i32
      %mul3A_104 = arith.muli %scan3A_40, %mul3A_103 : i32
      %mul3A_105 = arith.constant 16 : i32
      %mul3A_106 = arith.muli %mul3A_104, %mul3A_105 : i32
      %add3A_107 = arith.constant 16 : i32
      %add3A_108 = arith.addi %mul3A_106, %add3A_107 : i32
      %swap3A_109 = arith.index_cast %add3A_108 : i32 to index
      %swap3A_110 = tpu.vector_load %arg10[%swap3A_109] {strides = array<i32>} : memref<4128xf32, #tpu.memory_space<vmem>>, vector<16xf32>,
      tpu.vector_store %arg10[%swap3A_109], %broadcast_in_dim3A_1 {strides = array<i32>} : memref<4128xf32, #tpu.memory_space<vmem>>, vector<16xf32>,
      %mul3A_111 = arith.constant 2 : i32
      %mul3A_112 = arith.muli %scan3A_40, %mul3A_111 : i32
      %mul3A_113 = arith.constant 16 : i32
      %mul3A_114 = arith.muli %mul3A_112, %mul3A_113 : i32
      %swap3A_115 = arith.index_cast %mul3A_114 : i32 to index
      %swap3A_116 = tpu.vector_load %arg11[%swap3A_115] {strides = array<i32>} : memref<4128xf32, #tpu.memory_space<vmem>>, vector<16xf32>,
      tpu.vector_store %arg11[%swap3A_115], %broadcast_in_dim3A_1 {strides = array<i32>} : memref<4128xf32, #tpu.memory_space<vmem>>, vector<16xf32>,
      %mul3A_117 = arith.constant 2 : i32
      %mul3A_118 = arith.muli %scan3A_40, %mul3A_117 : i32
      %mul3A_119 = arith.constant 16 : i32
      %mul3A_120 = arith.muli %mul3A_118, %mul3A_119 : i32
      %add3A_121 = arith.constant 16 : i32
      %add3A_122 = arith.addi %mul3A_120, %add3A_121 : i32
      %swap3A_123 = arith.index_cast %add3A_122 : i32 to index
      %swap3A_124 = tpu.vector_load %arg11[%swap3A_123] {strides = array<i32>} : memref<4128xf32, #tpu.memory_space<vmem>>, vector<16xf32>,
      tpu.vector_store %arg11[%swap3A_123], %broadcast_in_dim3A_1 {strides = array<i32>} : memref<4128xf32, #tpu.memory_space<vmem>>, vector<16xf32>,
      %mul3A_125 = arith.constant 2 : i32
      %mul3A_126 = arith.muli %scan3A_40, %mul3A_125 : i32
      %mul3A_127 = arith.constant 16 : i32
      %mul3A_128 = arith.muli %mul3A_126, %mul3A_127 : i32
      %swap3A_129 = arith.index_cast %mul3A_128 : i32 to index
      %swap3A_130 = tpu.vector_load %arg12[%swap3A_129] {strides = array<i32>} : memref<4128xf32, #tpu.memory_space<vmem>>, vector<16xf32>,
      tpu.vector_store %arg12[%swap3A_129], %broadcast_in_dim3A_1 {strides = array<i32>} : memref<4128xf32, #tpu.memory_space<vmem>>, vector<16xf32>,
      %mul3A_131 = arith.constant 2 : i32
      %mul3A_132 = arith.muli %scan3A_40, %mul3A_131 : i32
      %mul3A_133 = arith.constant 16 : i32
      %mul3A_134 = arith.muli %mul3A_132, %mul3A_133 : i32
      %add3A_135 = arith.constant 16 : i32
      %add3A_136 = arith.addi %mul3A_134, %add3A_135 : i32
      %swap3A_137 = arith.index_cast %add3A_136 : i32 to index
      %swap3A_138 = tpu.vector_load %arg12[%swap3A_137] {strides = array<i32>} : memref<4128xf32, #tpu.memory_space<vmem>>, vector<16xf32>,
      tpu.vector_store %arg12[%swap3A_137], %broadcast_in_dim3A_1 {strides = array<i32>} : memref<4128xf32, #tpu.memory_space<vmem>>, vector<16xf32>,
      %mul3A_139 = arith.constant 2 : i32
      %mul3A_140 = arith.muli %scan3A_40, %mul3A_139 : i32
      %mul3A_141 = arith.constant 16 : i32
      %mul3A_142 = arith.muli %mul3A_140, %mul3A_141 : i32
      %swap3A_143 = arith.index_cast %mul3A_142 : i32 to index
      %swap3A_144 = tpu.vector_load %arg13[%swap3A_143] {strides = array<i32>} : memref<4128xf32, #tpu.memory_space<vmem>>, vector<16xf32>,
      tpu.vector_store %arg13[%swap3A_143], %broadcast_in_dim3A_1 {strides = array<i32>} : memref<4128xf32, #tpu.memory_space<vmem>>, vector<16xf32>,
      %mul3A_145 = arith.constant 2 : i32
      %mul3A_146 = arith.muli %scan3A_40, %mul3A_145 : i32
      %mul3A_147 = arith.constant 16 : i32
      %mul3A_148 = arith.muli %mul3A_146, %mul3A_147 : i32
      %add3A_149 = arith.constant 16 : i32
      %add3A_150 = arith.addi %mul3A_148, %add3A_149 : i32
      %swap3A_151 = arith.index_cast %add3A_150 : i32 to index
      %swap3A_152 = tpu.vector_load %arg13[%swap3A_151] {strides = array<i32>} : memref<4128xf32, #tpu.memory_space<vmem>>, vector<16xf32>,
      tpu.vector_store %arg13[%swap3A_151], %broadcast_in_dim3A_1 {strides = array<i32>} : memref<4128xf32, #tpu.memory_space<vmem>>, vector<16xf32>,
      %mul3A_153 = arith.constant 2 : i32
      %mul3A_154 = arith.muli %scan3A_40, %mul3A_153 : i32
      %mul3A_155 = arith.constant 16 : i32
      %mul3A_156 = arith.muli %mul3A_154, %mul3A_155 : i32
      %swap3A_157 = arith.index_cast %mul3A_156 : i32 to index
      %swap3A_158 = tpu.vector_load %arg14[%swap3A_157] {strides = array<i32>} : memref<4128xf32, #tpu.memory_space<vmem>>, vector<16xf32>,
      tpu.vector_store %arg14[%swap3A_157], %broadcast_in_dim3A_1 {strides = array<i32>} : memref<4128xf32, #tpu.memory_space<vmem>>, vector<16xf32>,
      %mul3A_159 = arith.constant 2 : i32
      %mul3A_160 = arith.muli %scan3A_40, %mul3A_159 : i32
      %mul3A_161 = arith.constant 16 : i32
      %mul3A_162 = arith.muli %mul3A_160, %mul3A_161 : i32
      %add3A_163 = arith.constant 16 : i32
      %add3A_164 = arith.addi %mul3A_162, %add3A_163 : i32
      %swap3A_165 = arith.index_cast %add3A_164 : i32 to index
      %swap3A_166 = tpu.vector_load %arg14[%swap3A_165] {strides = array<i32>} : memref<4128xf32, #tpu.memory_space<vmem>>, vector<16xf32>,
      tpu.vector_store %arg14[%swap3A_165], %broadcast_in_dim3A_1 {strides = array<i32>} : memref<4128xf32, #tpu.memory_space<vmem>>, vector<16xf32>,
      %mul3A_167 = arith.constant 2 : i32
      %mul3A_168 = arith.muli %scan3A_40, %mul3A_167 : i32
      %mul3A_169 = arith.constant 16 : i32
      %mul3A_170 = arith.muli %mul3A_168, %mul3A_169 : i32
      %swap3A_171 = arith.index_cast %mul3A_170 : i32 to index
      %swap3A_172 = tpu.vector_load %arg15[%swap3A_171] {strides = array<i32>} : memref<4128xf32, #tpu.memory_space<vmem>>, vector<16xf32>,
      tpu.vector_store %arg15[%swap3A_171], %broadcast_in_dim3A_1 {strides = array<i32>} : memref<4128xf32, #tpu.memory_space<vmem>>, vector<16xf32>,
      %mul3A_173 = arith.constant 2 : i32
      %mul3A_174 = arith.muli %scan3A_40, %mul3A_173 : i32
      %mul3A_175 = arith.constant 16 : i32
      %mul3A_176 = arith.muli %mul3A_174, %mul3A_175 : i32
      %add3A_177 = arith.constant 16 : i32
      %add3A_178 = arith.addi %mul3A_176, %add3A_177 : i32
      %swap3A_179 = arith.index_cast %add3A_178 : i32 to index
      %swap3A_180 = tpu.vector_load %arg15[%swap3A_179] {strides = array<i32>} : memref<4128xf32, #tpu.memory_space<vmem>>, vector<16xf32>,
      tpu.vector_store %arg15[%swap3A_179], %broadcast_in_dim3A_1 {strides = array<i32>} : memref<4128xf32, #tpu.memory_space<vmem>>, vector<16xf32>,
      %mul3A_181 = arith.constant 2 : i32
      %mul3A_182 = arith.muli %scan3A_40, %mul3A_181 : i32
      %mul3A_183 = arith.constant 16 : i32
      %mul3A_184 = arith.muli %mul3A_182, %mul3A_183 : i32
      %swap3A_185 = arith.index_cast %mul3A_184 : i32 to index
      %swap3A_186 = tpu.vector_load %arg16[%swap3A_185] {strides = array<i32>} : memref<4128xf32, #tpu.memory_space<vmem>>, vector<16xf32>,
      tpu.vector_store %arg16[%swap3A_185], %broadcast_in_dim3A_1 {strides = array<i32>} : memref<4128xf32, #tpu.memory_space<vmem>>, vector<16xf32>,
      %mul3A_187 = arith.constant 2 : i32
      %mul3A_188 = arith.muli %scan3A_40, %mul3A_187 : i32
      %mul3A_189 = arith.constant 16 : i32
      %mul3A_190 = arith.muli %mul3A_188, %mul3A_189 : i32
      %add3A_191 = arith.constant 16 : i32
      %add3A_192 = arith.addi %mul3A_190, %add3A_191 : i32
      %swap3A_193 = arith.index_cast %add3A_192 : i32 to index
      %swap3A_194 = tpu.vector_load %arg16[%swap3A_193] {strides = array<i32>} : memref<4128xf32, #tpu.memory_space<vmem>>, vector<16xf32>,
      tpu.vector_store %arg16[%swap3A_193], %broadcast_in_dim3A_1 {strides = array<i32>} : memref<4128xf32, #tpu.memory_space<vmem>>, vector<16xf32>,
      %mul3A_195 = arith.constant 2 : i32
      %mul3A_196 = arith.muli %scan3A_40, %mul3A_195 : i32
      %mul3A_197 = arith.constant 16 : i32
      %mul3A_198 = arith.muli %mul3A_196, %mul3A_197 : i32
      %swap3A_199 = arith.index_cast %mul3A_198 : i32 to index
      %swap3A_200 = tpu.vector_load %arg17[%swap3A_199] {strides = array<i32>} : memref<4128xf32, #tpu.memory_space<vmem>>, vector<16xf32>,
      tpu.vector_store %arg17[%swap3A_199], %broadcast_in_dim3A_1 {strides = array<i32>} : memref<4128xf32, #tpu.memory_space<vmem>>, vector<16xf32>,
      %mul3A_201 = arith.constant 2 : i32
      %mul3A_202 = arith.muli %scan3A_40, %mul3A_201 : i32
      %mul3A_203 = arith.constant 16 : i32
      %mul3A_204 = arith.muli %mul3A_202, %mul3A_203 : i32
      %add3A_205 = arith.constant 16 : i32
      %add3A_206 = arith.addi %mul3A_204, %add3A_205 : i32
      %swap3A_207 = arith.index_cast %add3A_206 : i32 to index
      %swap3A_208 = tpu.vector_load %arg17[%swap3A_207] {strides = array<i32>} : memref<4128xf32, #tpu.memory_space<vmem>>, vector<16xf32>,
      tpu.vector_store %arg17[%swap3A_207], %broadcast_in_dim3A_1 {strides = array<i32>} : memref<4128xf32, #tpu.memory_space<vmem>>, vector<16xf32>,
      %scan3A_209 = arith.constant 0 : i32
      scf.yield %scan3A_209 : i32
    }
    %scan3A_20 = arith.constant 129 : i32
    %iota3A = tpu.iota {dimensions = array<i32: 0>} : vector<16xi32>
    %add3A_21 = arith.constant 16 : i32
    %add3A_22 = vector.broadcast %add3A_21 : i32 to vector<16xi32>
    %add3A_23 = arith.addi %iota3A, %add3A_22 : vector<16xi32>
    %scan3A_24 = arith.constant 0 : i32
    %scan3A_25 = arith.constant 0 : i32
    %scan3A_26 = arith.constant 16 : i32
    %scan3A_27 = arith.addi %scan3A_25, %scan3A_26 : i32
    %scan3A_28 = arith.constant 1 : i32
    %scan3A_29 = scf.for %scan3A_40 = %scan3A_25 to %scan3A_27 step %scan3A_28 iter_args(%scan3A_41 = %scan3A_24) -> (i32)  : i32 {
      %mul3A_42 = arith.constant 2 : i32
      %mul3A_43 = arith.muli %mul3A_42, %scan3A_40 : i32
      %dma_wait3A = arith.constant 0 : i32
      %dma_wait3A_44 = tpu.memref_slice %arg2[%add3A, %dma_wait3A] : memref<32x1048576xf32, #tpu.memory_space<hbm>> -> memref<1x32768xf32, #tpu.memory_space<hbm>>
      %dma_wait3A_45 = tpu.memref_squeeze %dma_wait3A_44 : memref<1x32768xf32, #tpu.memory_space<hbm>> -> memref<32768xf32, #tpu.memory_space<hbm>>
      %dma_wait3A_46 = arith.constant 0 : i32
      %dma_wait3A_47 = tpu.memref_slice %arg2[%add3A, %dma_wait3A_46] : memref<32x1048576xf32, #tpu.memory_space<hbm>> -> memref<1x32768xf32, #tpu.memory_space<hbm>>
      %dma_wait3A_48 = tpu.memref_squeeze %dma_wait3A_47 : memref<1x32768xf32, #tpu.memory_space<hbm>> -> memref<32768xf32, #tpu.memory_space<hbm>>
      tpu.wait_dma2 semaphore(%arg19 : memref<!tpu.dma_semaphore, #tpu.memory_space<semaphore_mem>>) src(%dma_wait3A_48 : memref<32768xf32, #tpu.memory_space<hbm>>) dst(%arg4 : memref<32768xf32, #tpu.memory_space<vmem>>)
      %scan3A_49 = arith.constant 0 : i32
      %scan3A_50 = arith.constant 0 : i32
      %scan3A_51 = arith.constant 128 : i32
      %scan3A_52 = arith.addi %scan3A_50, %scan3A_51 : i32
      %scan3A_53 = arith.constant 1 : i32
      %scan3A_54 = scf.for %scan3A_81 = %scan3A_50 to %scan3A_52 step %scan3A_53 iter_args(%scan3A_82 = %scan3A_49) -> (i32)  : i32 {
        %mul3A_83 = arith.constant 256 : i32
        %mul3A_84 = arith.muli %scan3A_81, %mul3A_83 : i32
        %add3A_85 = arith.constant 0 : i32
        %add3A_86 = arith.addi %mul3A_84, %add3A_85 : i32
        %get3A = arith.index_cast %add3A_86 : i32 to index
        %get3A_87 = tpu.vector_load %arg4[%get3A] {strides = array<i32>} : memref<32768xf32, #tpu.memory_space<vmem>>, vector<16xf32>,
        %add3A_88 = arith.constant 16 : i32
        %add3A_89 = arith.addi %mul3A_84, %add3A_88 : i32
        %get3A_90 = arith.index_cast %add3A_89 : i32 to index
        %get3A_91 = tpu.vector_load %arg4[%get3A_90] {strides = array<i32>} : memref<32768xf32, #tpu.memory_space<vmem>>, vector<16xf32>,
        %add3A_92 = arith.constant 32 : i32
        %add3A_93 = arith.addi %mul3A_84, %add3A_92 : i32
        %get3A_94 = arith.index_cast %add3A_93 : i32 to index
        %get3A_95 = tpu.vector_load %arg4[%get3A_94] {strides = array<i32>} : memref<32768xf32, #tpu.memory_space<vmem>>, vector<16xf32>,
        %add3A_96 = arith.constant 48 : i32
        %add3A_97 = arith.addi %mul3A_84, %add3A_96 : i32
        %get3A_98 = arith.index_cast %add3A_97 : i32 to index
        %get3A_99 = tpu.vector_load %arg4[%get3A_98] {strides = array<i32>} : memref<32768xf32, #tpu.memory_space<vmem>>, vector<16xf32>,
        %add3A_100 = arith.constant 64 : i32
        %add3A_101 = arith.addi %mul3A_84, %add3A_100 : i32
        %get3A_102 = arith.index_cast %add3A_101 : i32 to index
        %get3A_103 = tpu.vector_load %arg4[%get3A_102] {strides = array<i32>} : memref<32768xf32, #tpu.memory_space<vmem>>, vector<16xf32>,
        %add3A_104 = arith.constant 80 : i32
        %add3A_105 = arith.addi %mul3A_84, %add3A_104 : i32
        %get3A_106 = arith.index_cast %add3A_105 : i32 to index
        %get3A_107 = tpu.vector_load %arg4[%get3A_106] {strides = array<i32>} : memref<32768xf32, #tpu.memory_space<vmem>>, vector<16xf32>,
        %add3A_108 = arith.constant 96 : i32
        %add3A_109 = arith.addi %mul3A_84, %add3A_108 : i32
        %get3A_110 = arith.index_cast %add3A_109 : i32 to index
        %get3A_111 = tpu.vector_load %arg4[%get3A_110] {strides = array<i32>} : memref<32768xf32, #tpu.memory_space<vmem>>, vector<16xf32>,
        %add3A_112 = arith.constant 112 : i32
        %add3A_113 = arith.addi %mul3A_84, %add3A_112 : i32
        %get3A_114 = arith.index_cast %add3A_113 : i32 to index
        %get3A_115 = tpu.vector_load %arg4[%get3A_114] {strides = array<i32>} : memref<32768xf32, #tpu.memory_space<vmem>>, vector<16xf32>,
        %add3A_116 = arith.constant 128 : i32
        %add3A_117 = arith.addi %mul3A_84, %add3A_116 : i32
        %get3A_118 = arith.index_cast %add3A_117 : i32 to index
        %get3A_119 = tpu.vector_load %arg4[%get3A_118] {strides = array<i32>} : memref<32768xf32, #tpu.memory_space<vmem>>, vector<16xf32>,
        %add3A_120 = arith.constant 144 : i32
        %add3A_121 = arith.addi %mul3A_84, %add3A_120 : i32
        %get3A_122 = arith.index_cast %add3A_121 : i32 to index
        %get3A_123 = tpu.vector_load %arg4[%get3A_122] {strides = array<i32>} : memref<32768xf32, #tpu.memory_space<vmem>>, vector<16xf32>,
        %add3A_124 = arith.constant 160 : i32
        %add3A_125 = arith.addi %mul3A_84, %add3A_124 : i32
        %get3A_126 = arith.index_cast %add3A_125 : i32 to index
        %get3A_127 = tpu.vector_load %arg4[%get3A_126] {strides = array<i32>} : memref<32768xf32, #tpu.memory_space<vmem>>, vector<16xf32>,
        %add3A_128 = arith.constant 176 : i32
        %add3A_129 = arith.addi %mul3A_84, %add3A_128 : i32
        %get3A_130 = arith.index_cast %add3A_129 : i32 to index
        %get3A_131 = tpu.vector_load %arg4[%get3A_130] {strides = array<i32>} : memref<32768xf32, #tpu.memory_space<vmem>>, vector<16xf32>,
        %add3A_132 = arith.constant 192 : i32
        %add3A_133 = arith.addi %mul3A_84, %add3A_132 : i32
        %get3A_134 = arith.index_cast %add3A_133 : i32 to index
        %get3A_135 = tpu.vector_load %arg4[%get3A_134] {strides = array<i32>} : memref<32768xf32, #tpu.memory_space<vmem>>, vector<16xf32>,
        %add3A_136 = arith.constant 208 : i32
        %add3A_137 = arith.addi %mul3A_84, %add3A_136 : i32
        %get3A_138 = arith.index_cast %add3A_137 : i32 to index
        %get3A_139 = tpu.vector_load %arg4[%get3A_138] {strides = array<i32>} : memref<32768xf32, #tpu.memory_space<vmem>>, vector<16xf32>,
        %add3A_140 = arith.constant 224 : i32
        %add3A_141 = arith.addi %mul3A_84, %add3A_140 : i32
        %get3A_142 = arith.index_cast %add3A_141 : i32 to index
        %get3A_143 = tpu.vector_load %arg4[%get3A_142] {strides = array<i32>} : memref<32768xf32, #tpu.memory_space<vmem>>, vector<16xf32>,
        %add3A_144 = arith.constant 240 : i32
        %add3A_145 = arith.addi %mul3A_84, %add3A_144 : i32
        %get3A_146 = arith.index_cast %add3A_145 : i32 to index
        %get3A_147 = tpu.vector_load %arg4[%get3A_146] {strides = array<i32>} : memref<32768xf32, #tpu.memory_space<vmem>>, vector<16xf32>,
        %convert_element_type3A_148 = arith.fptosi %get3A_87 : vector<16xf32> to vector<16xi32>
        %convert_element_type3A_149 = arith.fptosi %get3A_91 : vector<16xf32> to vector<16xi32>
        %convert_element_type3A_150 = arith.fptosi %get3A_95 : vector<16xf32> to vector<16xi32>
        %convert_element_type3A_151 = arith.fptosi %get3A_99 : vector<16xf32> to vector<16xi32>
        %convert_element_type3A_152 = arith.fptosi %get3A_103 : vector<16xf32> to vector<16xi32>
        %convert_element_type3A_153 = arith.fptosi %get3A_107 : vector<16xf32> to vector<16xi32>
        %convert_element_type3A_154 = arith.fptosi %get3A_111 : vector<16xf32> to vector<16xi32>
        %convert_element_type3A_155 = arith.fptosi %get3A_115 : vector<16xf32> to vector<16xi32>
        %convert_element_type3A_156 = arith.fptosi %get3A_119 : vector<16xf32> to vector<16xi32>
        %convert_element_type3A_157 = arith.fptosi %get3A_123 : vector<16xf32> to vector<16xi32>
        %convert_element_type3A_158 = arith.fptosi %get3A_127 : vector<16xf32> to vector<16xi32>
        %convert_element_type3A_159 = arith.fptosi %get3A_131 : vector<16xf32> to vector<16xi32>
        %convert_element_type3A_160 = arith.fptosi %get3A_135 : vector<16xf32> to vector<16xi32>
        %convert_element_type3A_161 = arith.fptosi %get3A_139 : vector<16xf32> to vector<16xi32>
        %convert_element_type3A_162 = arith.fptosi %get3A_143 : vector<16xf32> to vector<16xi32>
        %convert_element_type3A_163 = arith.fptosi %get3A_147 : vector<16xf32> to vector<16xi32>
        %shift_left3A = arith.constant 4 : i32
        %shift_left3A_164 = vector.broadcast %shift_left3A : i32 to vector<16xi32>
        %shift_left3A_165 = arith.shli %convert_element_type3A_148, %shift_left3A_164 : vector<16xi32>
        %add3A_166 = arith.addi %shift_left3A_165, %add3A_23 : vector<16xi32>
        %shift_left3A_167 = arith.constant 4 : i32
        %shift_left3A_168 = vector.broadcast %shift_left3A_167 : i32 to vector<16xi32>
        %shift_left3A_169 = arith.shli %convert_element_type3A_149, %shift_left3A_168 : vector<16xi32>
        %add3A_170 = arith.addi %shift_left3A_169, %add3A_23 : vector<16xi32>
        %shift_left3A_171 = arith.constant 4 : i32
        %shift_left3A_172 = vector.broadcast %shift_left3A_171 : i32 to vector<16xi32>
        %shift_left3A_173 = arith.shli %convert_element_type3A_150, %shift_left3A_172 : vector<16xi32>
        %add3A_174 = arith.addi %shift_left3A_173, %add3A_23 : vector<16xi32>
        %shift_left3A_175 = arith.constant 4 : i32
        %shift_left3A_176 = vector.broadcast %shift_left3A_175 : i32 to vector<16xi32>
        %shift_left3A_177 = arith.shli %convert_element_type3A_151, %shift_left3A_176 : vector<16xi32>
        %add3A_178 = arith.addi %shift_left3A_177, %add3A_23 : vector<16xi32>
        %shift_left3A_179 = arith.constant 4 : i32
        %shift_left3A_180 = vector.broadcast %shift_left3A_179 : i32 to vector<16xi32>
        %shift_left3A_181 = arith.shli %convert_element_type3A_152, %shift_left3A_180 : vector<16xi32>
        %add3A_182 = arith.addi %shift_left3A_181, %add3A_23 : vector<16xi32>
        %shift_left3A_183 = arith.constant 4 : i32
        %shift_left3A_184 = vector.broadcast %shift_left3A_183 : i32 to vector<16xi32>
        %shift_left3A_185 = arith.shli %convert_element_type3A_153, %shift_left3A_184 : vector<16xi32>
        %add3A_186 = arith.addi %shift_left3A_185, %add3A_23 : vector<16xi32>
        %shift_left3A_187 = arith.constant 4 : i32
        %shift_left3A_188 = vector.broadcast %shift_left3A_187 : i32 to vector<16xi32>
        %shift_left3A_189 = arith.shli %convert_element_type3A_154, %shift_left3A_188 : vector<16xi32>
        %add3A_190 = arith.addi %shift_left3A_189, %add3A_23 : vector<16xi32>
        %shift_left3A_191 = arith.constant 4 : i32
        %shift_left3A_192 = vector.broadcast %shift_left3A_191 : i32 to vector<16xi32>
        %shift_left3A_193 = arith.shli %convert_element_type3A_155, %shift_left3A_192 : vector<16xi32>
        %add3A_194 = arith.addi %shift_left3A_193, %add3A_23 : vector<16xi32>
        %shift_left3A_195 = arith.constant 4 : i32
        %shift_left3A_196 = vector.broadcast %shift_left3A_195 : i32 to vector<16xi32>
        %shift_left3A_197 = arith.shli %convert_element_type3A_156, %shift_left3A_196 : vector<16xi32>
        %add3A_198 = arith.addi %shift_left3A_197, %add3A_23 : vector<16xi32>
        %shift_left3A_199 = arith.constant 4 : i32
        %shift_left3A_200 = vector.broadcast %shift_left3A_199 : i32 to vector<16xi32>
        %shift_left3A_201 = arith.shli %convert_element_type3A_157, %shift_left3A_200 : vector<16xi32>
        %add3A_202 = arith.addi %shift_left3A_201, %add3A_23 : vector<16xi32>
        %shift_left3A_203 = arith.constant 4 : i32
        %shift_left3A_204 = vector.broadcast %shift_left3A_203 : i32 to vector<16xi32>
        %shift_left3A_205 = arith.shli %convert_element_type3A_158, %shift_left3A_204 : vector<16xi32>
        %add3A_206 = arith.addi %shift_left3A_205, %add3A_23 : vector<16xi32>
        %shift_left3A_207 = arith.constant 4 : i32
        %shift_left3A_208 = vector.broadcast %shift_left3A_207 : i32 to vector<16xi32>
        %shift_left3A_209 = arith.shli %convert_element_type3A_159, %shift_left3A_208 : vector<16xi32>
        %add3A_210 = arith.addi %shift_left3A_209, %add3A_23 : vector<16xi32>
        %shift_left3A_211 = arith.constant 4 : i32
        %shift_left3A_212 = vector.broadcast %shift_left3A_211 : i32 to vector<16xi32>
        %shift_left3A_213 = arith.shli %convert_element_type3A_160, %shift_left3A_212 : vector<16xi32>
        %add3A_214 = arith.addi %shift_left3A_213, %add3A_23 : vector<16xi32>
        %shift_left3A_215 = arith.constant 4 : i32
        %shift_left3A_216 = vector.broadcast %shift_left3A_215 : i32 to vector<16xi32>
        %shift_left3A_217 = arith.shli %convert_element_type3A_161, %shift_left3A_216 : vector<16xi32>
        %add3A_218 = arith.addi %shift_left3A_217, %add3A_23 : vector<16xi32>
        %shift_left3A_219 = arith.constant 4 : i32
        %shift_left3A_220 = vector.broadcast %shift_left3A_219 : i32 to vector<16xi32>
        %shift_left3A_221 = arith.shli %convert_element_type3A_162, %shift_left3A_220 : vector<16xi32>
        %add3A_222 = arith.addi %shift_left3A_221, %add3A_23 : vector<16xi32>
        %shift_left3A_223 = arith.constant 4 : i32
        %shift_left3A_224 = vector.broadcast %shift_left3A_223 : i32 to vector<16xi32>
        %shift_left3A_225 = arith.shli %convert_element_type3A_163, %shift_left3A_224 : vector<16xi32>
        %add3A_226 = arith.addi %shift_left3A_225, %add3A_23 : vector<16xi32>
        %convert_element_type3A_227 = arith.sitofp %convert_element_type3A_148 : vector<16xi32> to vector<16xf32>
        %sub3A = arith.subf %get3A_87, %convert_element_type3A_227 : vector<16xf32>
        %convert_element_type3A_228 = arith.sitofp %convert_element_type3A_149 : vector<16xi32> to vector<16xf32>
        %sub3A_229 = arith.subf %get3A_91, %convert_element_type3A_228 : vector<16xf32>
        %convert_element_type3A_230 = arith.sitofp %convert_element_type3A_150 : vector<16xi32> to vector<16xf32>
        %sub3A_231 = arith.subf %get3A_95, %convert_element_type3A_230 : vector<16xf32>
        %convert_element_type3A_232 = arith.sitofp %convert_element_type3A_151 : vector<16xi32> to vector<16xf32>
        %sub3A_233 = arith.subf %get3A_99, %convert_element_type3A_232 : vector<16xf32>
        %convert_element_type3A_234 = arith.sitofp %convert_element_type3A_152 : vector<16xi32> to vector<16xf32>
        %sub3A_235 = arith.subf %get3A_103, %convert_element_type3A_234 : vector<16xf32>
        %convert_element_type3A_236 = arith.sitofp %convert_element_type3A_153 : vector<16xi32> to vector<16xf32>
        %sub3A_237 = arith.subf %get3A_107, %convert_element_type3A_236 : vector<16xf32>
        %convert_element_type3A_238 = arith.sitofp %convert_element_type3A_154 : vector<16xi32> to vector<16xf32>
        %sub3A_239 = arith.subf %get3A_111, %convert_element_type3A_238 : vector<16xf32>
        %convert_element_type3A_240 = arith.sitofp %convert_element_type3A_155 : vector<16xi32> to vector<16xf32>
        %sub3A_241 = arith.subf %get3A_115, %convert_element_type3A_240 : vector<16xf32>
        %convert_element_type3A_242 = arith.sitofp %convert_element_type3A_156 : vector<16xi32> to vector<16xf32>
        %sub3A_243 = arith.subf %get3A_119, %convert_element_type3A_242 : vector<16xf32>
        %convert_element_type3A_244 = arith.sitofp %convert_element_type3A_157 : vector<16xi32> to vector<16xf32>
        %sub3A_245 = arith.subf %get3A_123, %convert_element_type3A_244 : vector<16xf32>
        %convert_element_type3A_246 = arith.sitofp %convert_element_type3A_158 : vector<16xi32> to vector<16xf32>
        %sub3A_247 = arith.subf %get3A_127, %convert_element_type3A_246 : vector<16xf32>
        %convert_element_type3A_248 = arith.sitofp %convert_element_type3A_159 : vector<16xi32> to vector<16xf32>
        %sub3A_249 = arith.subf %get3A_131, %convert_element_type3A_248 : vector<16xf32>
        %convert_element_type3A_250 = arith.sitofp %convert_element_type3A_160 : vector<16xi32> to vector<16xf32>
        %sub3A_251 = arith.subf %get3A_135, %convert_element_type3A_250 : vector<16xf32>
        %convert_element_type3A_252 = arith.sitofp %convert_element_type3A_161 : vector<16xi32> to vector<16xf32>
        %sub3A_253 = arith.subf %get3A_139, %convert_element_type3A_252 : vector<16xf32>
        %convert_element_type3A_254 = arith.sitofp %convert_element_type3A_162 : vector<16xi32> to vector<16xf32>
        %sub3A_255 = arith.subf %get3A_143, %convert_element_type3A_254 : vector<16xf32>
        %convert_element_type3A_256 = arith.sitofp %convert_element_type3A_163 : vector<16xi32> to vector<16xf32>
        %sub3A_257 = arith.subf %get3A_147, %convert_element_type3A_256 : vector<16xf32>
        tpu.vector_store_idx %arg6[%add3A_166], %broadcast_in_dim3A_3 {add = true} : memref<4128xf32, #tpu.memory_space<vmem>>[vector<16xi32>], vector<16xf32>,
        tpu.vector_store_idx %arg12[%add3A_166], %sub3A {add = true} : memref<4128xf32, #tpu.memory_space<vmem>>[vector<16xi32>], vector<16xf32>,
        tpu.vector_store_idx %arg7[%add3A_170], %broadcast_in_dim3A_3 {add = true} : memref<4128xf32, #tpu.memory_space<vmem>>[vector<16xi32>], vector<16xf32>,
        tpu.vector_store_idx %arg13[%add3A_170], %sub3A_229 {add = true} : memref<4128xf32, #tpu.memory_space<vmem>>[vector<16xi32>], vector<16xf32>,
        tpu.vector_store_idx %arg8[%add3A_174], %broadcast_in_dim3A_3 {add = true} : memref<4128xf32, #tpu.memory_space<vmem>>[vector<16xi32>], vector<16xf32>,
        tpu.vector_store_idx %arg14[%add3A_174], %sub3A_231 {add = true} : memref<4128xf32, #tpu.memory_space<vmem>>[vector<16xi32>], vector<16xf32>,
        tpu.vector_store_idx %arg9[%add3A_178], %broadcast_in_dim3A_3 {add = true} : memref<4128xf32, #tpu.memory_space<vmem>>[vector<16xi32>], vector<16xf32>,
        tpu.vector_store_idx %arg15[%add3A_178], %sub3A_233 {add = true} : memref<4128xf32, #tpu.memory_space<vmem>>[vector<16xi32>], vector<16xf32>,
        tpu.vector_store_idx %arg10[%add3A_182], %broadcast_in_dim3A_3 {add = true} : memref<4128xf32, #tpu.memory_space<vmem>>[vector<16xi32>], vector<16xf32>,
        tpu.vector_store_idx %arg16[%add3A_182], %sub3A_235 {add = true} : memref<4128xf32, #tpu.memory_space<vmem>>[vector<16xi32>], vector<16xf32>,
        tpu.vector_store_idx %arg11[%add3A_186], %broadcast_in_dim3A_3 {add = true} : memref<4128xf32, #tpu.memory_space<vmem>>[vector<16xi32>], vector<16xf32>,
        tpu.vector_store_idx %arg17[%add3A_186], %sub3A_237 {add = true} : memref<4128xf32, #tpu.memory_space<vmem>>[vector<16xi32>], vector<16xf32>,
        tpu.vector_store_idx %arg6[%add3A_190], %broadcast_in_dim3A_3 {add = true} : memref<4128xf32, #tpu.memory_space<vmem>>[vector<16xi32>], vector<16xf32>,
        tpu.vector_store_idx %arg12[%add3A_190], %sub3A_239 {add = true} : memref<4128xf32, #tpu.memory_space<vmem>>[vector<16xi32>], vector<16xf32>,
        tpu.vector_store_idx %arg7[%add3A_194], %broadcast_in_dim3A_3 {add = true} : memref<4128xf32, #tpu.memory_space<vmem>>[vector<16xi32>], vector<16xf32>,
        tpu.vector_store_idx %arg13[%add3A_194], %sub3A_241 {add = true} : memref<4128xf32, #tpu.memory_space<vmem>>[vector<16xi32>], vector<16xf32>,
        tpu.vector_store_idx %arg8[%add3A_198], %broadcast_in_dim3A_3 {add = true} : memref<4128xf32, #tpu.memory_space<vmem>>[vector<16xi32>], vector<16xf32>,
        tpu.vector_store_idx %arg14[%add3A_198], %sub3A_243 {add = true} : memref<4128xf32, #tpu.memory_space<vmem>>[vector<16xi32>], vector<16xf32>,
        tpu.vector_store_idx %arg9[%add3A_202], %broadcast_in_dim3A_3 {add = true} : memref<4128xf32, #tpu.memory_space<vmem>>[vector<16xi32>], vector<16xf32>,
        tpu.vector_store_idx %arg15[%add3A_202], %sub3A_245 {add = true} : memref<4128xf32, #tpu.memory_space<vmem>>[vector<16xi32>], vector<16xf32>,
        tpu.vector_store_idx %arg10[%add3A_206], %broadcast_in_dim3A_3 {add = true} : memref<4128xf32, #tpu.memory_space<vmem>>[vector<16xi32>], vector<16xf32>,
        tpu.vector_store_idx %arg16[%add3A_206], %sub3A_247 {add = true} : memref<4128xf32, #tpu.memory_space<vmem>>[vector<16xi32>], vector<16xf32>,
        tpu.vector_store_idx %arg11[%add3A_210], %broadcast_in_dim3A_3 {add = true} : memref<4128xf32, #tpu.memory_space<vmem>>[vector<16xi32>], vector<16xf32>,
        tpu.vector_store_idx %arg17[%add3A_210], %sub3A_249 {add = true} : memref<4128xf32, #tpu.memory_space<vmem>>[vector<16xi32>], vector<16xf32>,
        tpu.vector_store_idx %arg6[%add3A_214], %broadcast_in_dim3A_3 {add = true} : memref<4128xf32, #tpu.memory_space<vmem>>[vector<16xi32>], vector<16xf32>,
        tpu.vector_store_idx %arg12[%add3A_214], %sub3A_251 {add = true} : memref<4128xf32, #tpu.memory_space<vmem>>[vector<16xi32>], vector<16xf32>,
        tpu.vector_store_idx %arg7[%add3A_218], %broadcast_in_dim3A_3 {add = true} : memref<4128xf32, #tpu.memory_space<vmem>>[vector<16xi32>], vector<16xf32>,
        tpu.vector_store_idx %arg13[%add3A_218], %sub3A_253 {add = true} : memref<4128xf32, #tpu.memory_space<vmem>>[vector<16xi32>], vector<16xf32>,
        tpu.vector_store_idx %arg8[%add3A_222], %broadcast_in_dim3A_3 {add = true} : memref<4128xf32, #tpu.memory_space<vmem>>[vector<16xi32>], vector<16xf32>,
        tpu.vector_store_idx %arg14[%add3A_222], %sub3A_255 {add = true} : memref<4128xf32, #tpu.memory_space<vmem>>[vector<16xi32>], vector<16xf32>,
        tpu.vector_store_idx %arg9[%add3A_226], %broadcast_in_dim3A_3 {add = true} : memref<4128xf32, #tpu.memory_space<vmem>>[vector<16xi32>], vector<16xf32>,
        tpu.vector_store_idx %arg15[%add3A_226], %sub3A_257 {add = true} : memref<4128xf32, #tpu.memory_space<vmem>>[vector<16xi32>], vector<16xf32>,
        %scan3A_258 = arith.constant 0 : i32
        scf.yield %scan3A_258 : i32
      }
      %scan3A_55 = arith.constant 128 : i32
      %add3A_56 = arith.constant 2 : i32
      %add3A_57 = arith.addi %mul3A_43, %add3A_56 : i32
      %lt3A = arith.constant 32 : i32
      %lt3A_58 = arith.cmpi slt, %add3A_57, %lt3A : i32
      %convert_element_type3A = arith.extui %lt3A_58 : i1 to i32
      %cond3A = arith.constant 0 : i32
      %cond3A_59 = arith.cmpi ne, %convert_element_type3A, %cond3A : i32
      scf.if %cond3A_59 {
        %add3A_81 = arith.constant 2 : i32
        %add3A_82 = arith.addi %mul3A_43, %add3A_81 : i32
        %mul3A_83 = arith.constant 32768 : i32
        %mul3A_84 = arith.muli %add3A_82, %mul3A_83 : i32
        %dma_start3A_85 = tpu.memref_slice %arg2[%add3A, %mul3A_84] : memref<32x1048576xf32, #tpu.memory_space<hbm>> -> memref<1x32768xf32, #tpu.memory_space<hbm>>
        %dma_start3A_86 = tpu.memref_squeeze %dma_start3A_85 : memref<1x32768xf32, #tpu.memory_space<hbm>> -> memref<32768xf32, #tpu.memory_space<hbm>>
        %dma_start3A_87 = tpu.memref_slice %arg2[%add3A, %mul3A_84] : memref<32x1048576xf32, #tpu.memory_space<hbm>> -> memref<1x32768xf32, #tpu.memory_space<hbm>>
        %dma_start3A_88 = tpu.memref_squeeze %dma_start3A_87 : memref<1x32768xf32, #tpu.memory_space<hbm>> -> memref<32768xf32, #tpu.memory_space<hbm>>
        tpu.enqueue_dma source(%dma_start3A_88 : memref<32768xf32, #tpu.memory_space<hbm>>) target(%arg4 : memref<32768xf32, #tpu.memory_space<vmem>>) target_semaphore(%arg19 : memref<!tpu.dma_semaphore, #tpu.memory_space<semaphore_mem>>)
      } else {
      }
      %dma_wait3A_60 = arith.constant 0 : i32
      %dma_wait3A_61 = tpu.memref_slice %arg2[%add3A, %dma_wait3A_60] : memref<32x1048576xf32, #tpu.memory_space<hbm>> -> memref<1x32768xf32, #tpu.memory_space<hbm>>
      %dma_wait3A_62 = tpu.memref_squeeze %dma_wait3A_61 : memref<1x32768xf32, #tpu.memory_space<hbm>> -> memref<32768xf32, #tpu.memory_space<hbm>>
      %dma_wait3A_63 = arith.constant 0 : i32
      %dma_wait3A_64 = tpu.memref_slice %arg2[%add3A, %dma_wait3A_63] : memref<32x1048576xf32, #tpu.memory_space<hbm>> -> memref<1x32768xf32, #tpu.memory_space<hbm>>
      %dma_wait3A_65 = tpu.memref_squeeze %dma_wait3A_64 : memref<1x32768xf32, #tpu.memory_space<hbm>> -> memref<32768xf32, #tpu.memory_space<hbm>>
      tpu.wait_dma2 semaphore(%arg20 : memref<!tpu.dma_semaphore, #tpu.memory_space<semaphore_mem>>) src(%dma_wait3A_65 : memref<32768xf32, #tpu.memory_space<hbm>>) dst(%arg5 : memref<32768xf32, #tpu.memory_space<vmem>>)
      %scan3A_66 = arith.constant 0 : i32
      %scan3A_67 = arith.constant 0 : i32
      %scan3A_68 = arith.constant 128 : i32
      %scan3A_69 = arith.addi %scan3A_67, %scan3A_68 : i32
      %scan3A_70 = arith.constant 1 : i32
      %scan3A_71 = scf.for %scan3A_81 = %scan3A_67 to %scan3A_69 step %scan3A_70 iter_args(%scan3A_82 = %scan3A_66) -> (i32)  : i32 {
        %mul3A_83 = arith.constant 256 : i32
        %mul3A_84 = arith.muli %scan3A_81, %mul3A_83 : i32
        %add3A_85 = arith.constant 0 : i32
        %add3A_86 = arith.addi %mul3A_84, %add3A_85 : i32
        %get3A = arith.index_cast %add3A_86 : i32 to index
        %get3A_87 = tpu.vector_load %arg5[%get3A] {strides = array<i32>} : memref<32768xf32, #tpu.memory_space<vmem>>, vector<16xf32>,
        %add3A_88 = arith.constant 16 : i32
        %add3A_89 = arith.addi %mul3A_84, %add3A_88 : i32
        %get3A_90 = arith.index_cast %add3A_89 : i32 to index
        %get3A_91 = tpu.vector_load %arg5[%get3A_90] {strides = array<i32>} : memref<32768xf32, #tpu.memory_space<vmem>>, vector<16xf32>,
        %add3A_92 = arith.constant 32 : i32
        %add3A_93 = arith.addi %mul3A_84, %add3A_92 : i32
        %get3A_94 = arith.index_cast %add3A_93 : i32 to index
        %get3A_95 = tpu.vector_load %arg5[%get3A_94] {strides = array<i32>} : memref<32768xf32, #tpu.memory_space<vmem>>, vector<16xf32>,
        %add3A_96 = arith.constant 48 : i32
        %add3A_97 = arith.addi %mul3A_84, %add3A_96 : i32
        %get3A_98 = arith.index_cast %add3A_97 : i32 to index
        %get3A_99 = tpu.vector_load %arg5[%get3A_98] {strides = array<i32>} : memref<32768xf32, #tpu.memory_space<vmem>>, vector<16xf32>,
        %add3A_100 = arith.constant 64 : i32
        %add3A_101 = arith.addi %mul3A_84, %add3A_100 : i32
        %get3A_102 = arith.index_cast %add3A_101 : i32 to index
        %get3A_103 = tpu.vector_load %arg5[%get3A_102] {strides = array<i32>} : memref<32768xf32, #tpu.memory_space<vmem>>, vector<16xf32>,
        %add3A_104 = arith.constant 80 : i32
        %add3A_105 = arith.addi %mul3A_84, %add3A_104 : i32
        %get3A_106 = arith.index_cast %add3A_105 : i32 to index
        %get3A_107 = tpu.vector_load %arg5[%get3A_106] {strides = array<i32>} : memref<32768xf32, #tpu.memory_space<vmem>>, vector<16xf32>,
        %add3A_108 = arith.constant 96 : i32
        %add3A_109 = arith.addi %mul3A_84, %add3A_108 : i32
        %get3A_110 = arith.index_cast %add3A_109 : i32 to index
        %get3A_111 = tpu.vector_load %arg5[%get3A_110] {strides = array<i32>} : memref<32768xf32, #tpu.memory_space<vmem>>, vector<16xf32>,
        %add3A_112 = arith.constant 112 : i32
        %add3A_113 = arith.addi %mul3A_84, %add3A_112 : i32
        %get3A_114 = arith.index_cast %add3A_113 : i32 to index
        %get3A_115 = tpu.vector_load %arg5[%get3A_114] {strides = array<i32>} : memref<32768xf32, #tpu.memory_space<vmem>>, vector<16xf32>,
        %add3A_116 = arith.constant 128 : i32
        %add3A_117 = arith.addi %mul3A_84, %add3A_116 : i32
        %get3A_118 = arith.index_cast %add3A_117 : i32 to index
        %get3A_119 = tpu.vector_load %arg5[%get3A_118] {strides = array<i32>} : memref<32768xf32, #tpu.memory_space<vmem>>, vector<16xf32>,
        %add3A_120 = arith.constant 144 : i32
        %add3A_121 = arith.addi %mul3A_84, %add3A_120 : i32
        %get3A_122 = arith.index_cast %add3A_121 : i32 to index
        %get3A_123 = tpu.vector_load %arg5[%get3A_122] {strides = array<i32>} : memref<32768xf32, #tpu.memory_space<vmem>>, vector<16xf32>,
        %add3A_124 = arith.constant 160 : i32
        %add3A_125 = arith.addi %mul3A_84, %add3A_124 : i32
        %get3A_126 = arith.index_cast %add3A_125 : i32 to index
        %get3A_127 = tpu.vector_load %arg5[%get3A_126] {strides = array<i32>} : memref<32768xf32, #tpu.memory_space<vmem>>, vector<16xf32>,
        %add3A_128 = arith.constant 176 : i32
        %add3A_129 = arith.addi %mul3A_84, %add3A_128 : i32
        %get3A_130 = arith.index_cast %add3A_129 : i32 to index
        %get3A_131 = tpu.vector_load %arg5[%get3A_130] {strides = array<i32>} : memref<32768xf32, #tpu.memory_space<vmem>>, vector<16xf32>,
        %add3A_132 = arith.constant 192 : i32
        %add3A_133 = arith.addi %mul3A_84, %add3A_132 : i32
        %get3A_134 = arith.index_cast %add3A_133 : i32 to index
        %get3A_135 = tpu.vector_load %arg5[%get3A_134] {strides = array<i32>} : memref<32768xf32, #tpu.memory_space<vmem>>, vector<16xf32>,
        %add3A_136 = arith.constant 208 : i32
        %add3A_137 = arith.addi %mul3A_84, %add3A_136 : i32
        %get3A_138 = arith.index_cast %add3A_137 : i32 to index
        %get3A_139 = tpu.vector_load %arg5[%get3A_138] {strides = array<i32>} : memref<32768xf32, #tpu.memory_space<vmem>>, vector<16xf32>,
        %add3A_140 = arith.constant 224 : i32
        %add3A_141 = arith.addi %mul3A_84, %add3A_140 : i32
        %get3A_142 = arith.index_cast %add3A_141 : i32 to index
        %get3A_143 = tpu.vector_load %arg5[%get3A_142] {strides = array<i32>} : memref<32768xf32, #tpu.memory_space<vmem>>, vector<16xf32>,
        %add3A_144 = arith.constant 240 : i32
        %add3A_145 = arith.addi %mul3A_84, %add3A_144 : i32
        %get3A_146 = arith.index_cast %add3A_145 : i32 to index
        %get3A_147 = tpu.vector_load %arg5[%get3A_146] {strides = array<i32>} : memref<32768xf32, #tpu.memory_space<vmem>>, vector<16xf32>,
        %convert_element_type3A_148 = arith.fptosi %get3A_87 : vector<16xf32> to vector<16xi32>
        %convert_element_type3A_149 = arith.fptosi %get3A_91 : vector<16xf32> to vector<16xi32>
        %convert_element_type3A_150 = arith.fptosi %get3A_95 : vector<16xf32> to vector<16xi32>
        %convert_element_type3A_151 = arith.fptosi %get3A_99 : vector<16xf32> to vector<16xi32>
        %convert_element_type3A_152 = arith.fptosi %get3A_103 : vector<16xf32> to vector<16xi32>
        %convert_element_type3A_153 = arith.fptosi %get3A_107 : vector<16xf32> to vector<16xi32>
        %convert_element_type3A_154 = arith.fptosi %get3A_111 : vector<16xf32> to vector<16xi32>
        %convert_element_type3A_155 = arith.fptosi %get3A_115 : vector<16xf32> to vector<16xi32>
        %convert_element_type3A_156 = arith.fptosi %get3A_119 : vector<16xf32> to vector<16xi32>
        %convert_element_type3A_157 = arith.fptosi %get3A_123 : vector<16xf32> to vector<16xi32>
        %convert_element_type3A_158 = arith.fptosi %get3A_127 : vector<16xf32> to vector<16xi32>
        %convert_element_type3A_159 = arith.fptosi %get3A_131 : vector<16xf32> to vector<16xi32>
        %convert_element_type3A_160 = arith.fptosi %get3A_135 : vector<16xf32> to vector<16xi32>
        %convert_element_type3A_161 = arith.fptosi %get3A_139 : vector<16xf32> to vector<16xi32>
        %convert_element_type3A_162 = arith.fptosi %get3A_143 : vector<16xf32> to vector<16xi32>
        %convert_element_type3A_163 = arith.fptosi %get3A_147 : vector<16xf32> to vector<16xi32>
        %shift_left3A = arith.constant 4 : i32
        %shift_left3A_164 = vector.broadcast %shift_left3A : i32 to vector<16xi32>
        %shift_left3A_165 = arith.shli %convert_element_type3A_148, %shift_left3A_164 : vector<16xi32>
        %add3A_166 = arith.addi %shift_left3A_165, %add3A_23 : vector<16xi32>
        %shift_left3A_167 = arith.constant 4 : i32
        %shift_left3A_168 = vector.broadcast %shift_left3A_167 : i32 to vector<16xi32>
        %shift_left3A_169 = arith.shli %convert_element_type3A_149, %shift_left3A_168 : vector<16xi32>
        %add3A_170 = arith.addi %shift_left3A_169, %add3A_23 : vector<16xi32>
        %shift_left3A_171 = arith.constant 4 : i32
        %shift_left3A_172 = vector.broadcast %shift_left3A_171 : i32 to vector<16xi32>
        %shift_left3A_173 = arith.shli %convert_element_type3A_150, %shift_left3A_172 : vector<16xi32>
        %add3A_174 = arith.addi %shift_left3A_173, %add3A_23 : vector<16xi32>
        %shift_left3A_175 = arith.constant 4 : i32
        %shift_left3A_176 = vector.broadcast %shift_left3A_175 : i32 to vector<16xi32>
        %shift_left3A_177 = arith.shli %convert_element_type3A_151, %shift_left3A_176 : vector<16xi32>
        %add3A_178 = arith.addi %shift_left3A_177, %add3A_23 : vector<16xi32>
        %shift_left3A_179 = arith.constant 4 : i32
        %shift_left3A_180 = vector.broadcast %shift_left3A_179 : i32 to vector<16xi32>
        %shift_left3A_181 = arith.shli %convert_element_type3A_152, %shift_left3A_180 : vector<16xi32>
        %add3A_182 = arith.addi %shift_left3A_181, %add3A_23 : vector<16xi32>
        %shift_left3A_183 = arith.constant 4 : i32
        %shift_left3A_184 = vector.broadcast %shift_left3A_183 : i32 to vector<16xi32>
        %shift_left3A_185 = arith.shli %convert_element_type3A_153, %shift_left3A_184 : vector<16xi32>
        %add3A_186 = arith.addi %shift_left3A_185, %add3A_23 : vector<16xi32>
        %shift_left3A_187 = arith.constant 4 : i32
        %shift_left3A_188 = vector.broadcast %shift_left3A_187 : i32 to vector<16xi32>
        %shift_left3A_189 = arith.shli %convert_element_type3A_154, %shift_left3A_188 : vector<16xi32>
        %add3A_190 = arith.addi %shift_left3A_189, %add3A_23 : vector<16xi32>
        %shift_left3A_191 = arith.constant 4 : i32
        %shift_left3A_192 = vector.broadcast %shift_left3A_191 : i32 to vector<16xi32>
        %shift_left3A_193 = arith.shli %convert_element_type3A_155, %shift_left3A_192 : vector<16xi32>
        %add3A_194 = arith.addi %shift_left3A_193, %add3A_23 : vector<16xi32>
        %shift_left3A_195 = arith.constant 4 : i32
        %shift_left3A_196 = vector.broadcast %shift_left3A_195 : i32 to vector<16xi32>
        %shift_left3A_197 = arith.shli %convert_element_type3A_156, %shift_left3A_196 : vector<16xi32>
        %add3A_198 = arith.addi %shift_left3A_197, %add3A_23 : vector<16xi32>
        %shift_left3A_199 = arith.constant 4 : i32
        %shift_left3A_200 = vector.broadcast %shift_left3A_199 : i32 to vector<16xi32>
        %shift_left3A_201 = arith.shli %convert_element_type3A_157, %shift_left3A_200 : vector<16xi32>
        %add3A_202 = arith.addi %shift_left3A_201, %add3A_23 : vector<16xi32>
        %shift_left3A_203 = arith.constant 4 : i32
        %shift_left3A_204 = vector.broadcast %shift_left3A_203 : i32 to vector<16xi32>
        %shift_left3A_205 = arith.shli %convert_element_type3A_158, %shift_left3A_204 : vector<16xi32>
        %add3A_206 = arith.addi %shift_left3A_205, %add3A_23 : vector<16xi32>
        %shift_left3A_207 = arith.constant 4 : i32
        %shift_left3A_208 = vector.broadcast %shift_left3A_207 : i32 to vector<16xi32>
        %shift_left3A_209 = arith.shli %convert_element_type3A_159, %shift_left3A_208 : vector<16xi32>
        %add3A_210 = arith.addi %shift_left3A_209, %add3A_23 : vector<16xi32>
        %shift_left3A_211 = arith.constant 4 : i32
        %shift_left3A_212 = vector.broadcast %shift_left3A_211 : i32 to vector<16xi32>
        %shift_left3A_213 = arith.shli %convert_element_type3A_160, %shift_left3A_212 : vector<16xi32>
        %add3A_214 = arith.addi %shift_left3A_213, %add3A_23 : vector<16xi32>
        %shift_left3A_215 = arith.constant 4 : i32
        %shift_left3A_216 = vector.broadcast %shift_left3A_215 : i32 to vector<16xi32>
        %shift_left3A_217 = arith.shli %convert_element_type3A_161, %shift_left3A_216 : vector<16xi32>
        %add3A_218 = arith.addi %shift_left3A_217, %add3A_23 : vector<16xi32>
        %shift_left3A_219 = arith.constant 4 : i32
        %shift_left3A_220 = vector.broadcast %shift_left3A_219 : i32 to vector<16xi32>
        %shift_left3A_221 = arith.shli %convert_element_type3A_162, %shift_left3A_220 : vector<16xi32>
        %add3A_222 = arith.addi %shift_left3A_221, %add3A_23 : vector<16xi32>
        %shift_left3A_223 = arith.constant 4 : i32
        %shift_left3A_224 = vector.broadcast %shift_left3A_223 : i32 to vector<16xi32>
        %shift_left3A_225 = arith.shli %convert_element_type3A_163, %shift_left3A_224 : vector<16xi32>
        %add3A_226 = arith.addi %shift_left3A_225, %add3A_23 : vector<16xi32>
        %convert_element_type3A_227 = arith.sitofp %convert_element_type3A_148 : vector<16xi32> to vector<16xf32>
        %sub3A = arith.subf %get3A_87, %convert_element_type3A_227 : vector<16xf32>
        %convert_element_type3A_228 = arith.sitofp %convert_element_type3A_149 : vector<16xi32> to vector<16xf32>
        %sub3A_229 = arith.subf %get3A_91, %convert_element_type3A_228 : vector<16xf32>
        %convert_element_type3A_230 = arith.sitofp %convert_element_type3A_150 : vector<16xi32> to vector<16xf32>
        %sub3A_231 = arith.subf %get3A_95, %convert_element_type3A_230 : vector<16xf32>
        %convert_element_type3A_232 = arith.sitofp %convert_element_type3A_151 : vector<16xi32> to vector<16xf32>
        %sub3A_233 = arith.subf %get3A_99, %convert_element_type3A_232 : vector<16xf32>
        %convert_element_type3A_234 = arith.sitofp %convert_element_type3A_152 : vector<16xi32> to vector<16xf32>
        %sub3A_235 = arith.subf %get3A_103, %convert_element_type3A_234 : vector<16xf32>
        %convert_element_type3A_236 = arith.sitofp %convert_element_type3A_153 : vector<16xi32> to vector<16xf32>
        %sub3A_237 = arith.subf %get3A_107, %convert_element_type3A_236 : vector<16xf32>
        %convert_element_type3A_238 = arith.sitofp %convert_element_type3A_154 : vector<16xi32> to vector<16xf32>
        %sub3A_239 = arith.subf %get3A_111, %convert_element_type3A_238 : vector<16xf32>
        %convert_element_type3A_240 = arith.sitofp %convert_element_type3A_155 : vector<16xi32> to vector<16xf32>
        %sub3A_241 = arith.subf %get3A_115, %convert_element_type3A_240 : vector<16xf32>
        %convert_element_type3A_242 = arith.sitofp %convert_element_type3A_156 : vector<16xi32> to vector<16xf32>
        %sub3A_243 = arith.subf %get3A_119, %convert_element_type3A_242 : vector<16xf32>
        %convert_element_type3A_244 = arith.sitofp %convert_element_type3A_157 : vector<16xi32> to vector<16xf32>
        %sub3A_245 = arith.subf %get3A_123, %convert_element_type3A_244 : vector<16xf32>
        %convert_element_type3A_246 = arith.sitofp %convert_element_type3A_158 : vector<16xi32> to vector<16xf32>
        %sub3A_247 = arith.subf %get3A_127, %convert_element_type3A_246 : vector<16xf32>
        %convert_element_type3A_248 = arith.sitofp %convert_element_type3A_159 : vector<16xi32> to vector<16xf32>
        %sub3A_249 = arith.subf %get3A_131, %convert_element_type3A_248 : vector<16xf32>
        %convert_element_type3A_250 = arith.sitofp %convert_element_type3A_160 : vector<16xi32> to vector<16xf32>
        %sub3A_251 = arith.subf %get3A_135, %convert_element_type3A_250 : vector<16xf32>
        %convert_element_type3A_252 = arith.sitofp %convert_element_type3A_161 : vector<16xi32> to vector<16xf32>
        %sub3A_253 = arith.subf %get3A_139, %convert_element_type3A_252 : vector<16xf32>
        %convert_element_type3A_254 = arith.sitofp %convert_element_type3A_162 : vector<16xi32> to vector<16xf32>
        %sub3A_255 = arith.subf %get3A_143, %convert_element_type3A_254 : vector<16xf32>
        %convert_element_type3A_256 = arith.sitofp %convert_element_type3A_163 : vector<16xi32> to vector<16xf32>
        %sub3A_257 = arith.subf %get3A_147, %convert_element_type3A_256 : vector<16xf32>
        tpu.vector_store_idx %arg6[%add3A_166], %broadcast_in_dim3A_3 {add = true} : memref<4128xf32, #tpu.memory_space<vmem>>[vector<16xi32>], vector<16xf32>,
        tpu.vector_store_idx %arg12[%add3A_166], %sub3A {add = true} : memref<4128xf32, #tpu.memory_space<vmem>>[vector<16xi32>], vector<16xf32>,
        tpu.vector_store_idx %arg7[%add3A_170], %broadcast_in_dim3A_3 {add = true} : memref<4128xf32, #tpu.memory_space<vmem>>[vector<16xi32>], vector<16xf32>,
        tpu.vector_store_idx %arg13[%add3A_170], %sub3A_229 {add = true} : memref<4128xf32, #tpu.memory_space<vmem>>[vector<16xi32>], vector<16xf32>,
        tpu.vector_store_idx %arg8[%add3A_174], %broadcast_in_dim3A_3 {add = true} : memref<4128xf32, #tpu.memory_space<vmem>>[vector<16xi32>], vector<16xf32>,
        tpu.vector_store_idx %arg14[%add3A_174], %sub3A_231 {add = true} : memref<4128xf32, #tpu.memory_space<vmem>>[vector<16xi32>], vector<16xf32>,
        tpu.vector_store_idx %arg9[%add3A_178], %broadcast_in_dim3A_3 {add = true} : memref<4128xf32, #tpu.memory_space<vmem>>[vector<16xi32>], vector<16xf32>,
        tpu.vector_store_idx %arg15[%add3A_178], %sub3A_233 {add = true} : memref<4128xf32, #tpu.memory_space<vmem>>[vector<16xi32>], vector<16xf32>,
        tpu.vector_store_idx %arg10[%add3A_182], %broadcast_in_dim3A_3 {add = true} : memref<4128xf32, #tpu.memory_space<vmem>>[vector<16xi32>], vector<16xf32>,
        tpu.vector_store_idx %arg16[%add3A_182], %sub3A_235 {add = true} : memref<4128xf32, #tpu.memory_space<vmem>>[vector<16xi32>], vector<16xf32>,
        tpu.vector_store_idx %arg11[%add3A_186], %broadcast_in_dim3A_3 {add = true} : memref<4128xf32, #tpu.memory_space<vmem>>[vector<16xi32>], vector<16xf32>,
        tpu.vector_store_idx %arg17[%add3A_186], %sub3A_237 {add = true} : memref<4128xf32, #tpu.memory_space<vmem>>[vector<16xi32>], vector<16xf32>,
        tpu.vector_store_idx %arg6[%add3A_190], %broadcast_in_dim3A_3 {add = true} : memref<4128xf32, #tpu.memory_space<vmem>>[vector<16xi32>], vector<16xf32>,
        tpu.vector_store_idx %arg12[%add3A_190], %sub3A_239 {add = true} : memref<4128xf32, #tpu.memory_space<vmem>>[vector<16xi32>], vector<16xf32>,
        tpu.vector_store_idx %arg7[%add3A_194], %broadcast_in_dim3A_3 {add = true} : memref<4128xf32, #tpu.memory_space<vmem>>[vector<16xi32>], vector<16xf32>,
        tpu.vector_store_idx %arg13[%add3A_194], %sub3A_241 {add = true} : memref<4128xf32, #tpu.memory_space<vmem>>[vector<16xi32>], vector<16xf32>,
        tpu.vector_store_idx %arg8[%add3A_198], %broadcast_in_dim3A_3 {add = true} : memref<4128xf32, #tpu.memory_space<vmem>>[vector<16xi32>], vector<16xf32>,
        tpu.vector_store_idx %arg14[%add3A_198], %sub3A_243 {add = true} : memref<4128xf32, #tpu.memory_space<vmem>>[vector<16xi32>], vector<16xf32>,
        tpu.vector_store_idx %arg9[%add3A_202], %broadcast_in_dim3A_3 {add = true} : memref<4128xf32, #tpu.memory_space<vmem>>[vector<16xi32>], vector<16xf32>,
        tpu.vector_store_idx %arg15[%add3A_202], %sub3A_245 {add = true} : memref<4128xf32, #tpu.memory_space<vmem>>[vector<16xi32>], vector<16xf32>,
        tpu.vector_store_idx %arg10[%add3A_206], %broadcast_in_dim3A_3 {add = true} : memref<4128xf32, #tpu.memory_space<vmem>>[vector<16xi32>], vector<16xf32>,
        tpu.vector_store_idx %arg16[%add3A_206], %sub3A_247 {add = true} : memref<4128xf32, #tpu.memory_space<vmem>>[vector<16xi32>], vector<16xf32>,
        tpu.vector_store_idx %arg11[%add3A_210], %broadcast_in_dim3A_3 {add = true} : memref<4128xf32, #tpu.memory_space<vmem>>[vector<16xi32>], vector<16xf32>,
        tpu.vector_store_idx %arg17[%add3A_210], %sub3A_249 {add = true} : memref<4128xf32, #tpu.memory_space<vmem>>[vector<16xi32>], vector<16xf32>,
        tpu.vector_store_idx %arg6[%add3A_214], %broadcast_in_dim3A_3 {add = true} : memref<4128xf32, #tpu.memory_space<vmem>>[vector<16xi32>], vector<16xf32>,
        tpu.vector_store_idx %arg12[%add3A_214], %sub3A_251 {add = true} : memref<4128xf32, #tpu.memory_space<vmem>>[vector<16xi32>], vector<16xf32>,
        tpu.vector_store_idx %arg7[%add3A_218], %broadcast_in_dim3A_3 {add = true} : memref<4128xf32, #tpu.memory_space<vmem>>[vector<16xi32>], vector<16xf32>,
        tpu.vector_store_idx %arg13[%add3A_218], %sub3A_253 {add = true} : memref<4128xf32, #tpu.memory_space<vmem>>[vector<16xi32>], vector<16xf32>,
        tpu.vector_store_idx %arg8[%add3A_222], %broadcast_in_dim3A_3 {add = true} : memref<4128xf32, #tpu.memory_space<vmem>>[vector<16xi32>], vector<16xf32>,
        tpu.vector_store_idx %arg14[%add3A_222], %sub3A_255 {add = true} : memref<4128xf32, #tpu.memory_space<vmem>>[vector<16xi32>], vector<16xf32>,
        tpu.vector_store_idx %arg9[%add3A_226], %broadcast_in_dim3A_3 {add = true} : memref<4128xf32, #tpu.memory_space<vmem>>[vector<16xi32>], vector<16xf32>,
        tpu.vector_store_idx %arg15[%add3A_226], %sub3A_257 {add = true} : memref<4128xf32, #tpu.memory_space<vmem>>[vector<16xi32>], vector<16xf32>,
        %scan3A_258 = arith.constant 0 : i32
        scf.yield %scan3A_258 : i32
      }
      %scan3A_72 = arith.constant 128 : i32
      %add3A_73 = arith.constant 3 : i32
      %add3A_74 = arith.addi %mul3A_43, %add3A_73 : i32
      %lt3A_75 = arith.constant 32 : i32
      %lt3A_76 = arith.cmpi slt, %add3A_74, %lt3A_75 : i32
      %convert_element_type3A_77 = arith.extui %lt3A_76 : i1 to i32
      %cond3A_78 = arith.constant 0 : i32
      %cond3A_79 = arith.cmpi ne, %convert_element_type3A_77, %cond3A_78 : i32
      scf.if %cond3A_79 {
        %add3A_81 = arith.constant 3 : i32
        %add3A_82 = arith.addi %mul3A_43, %add3A_81 : i32
        %mul3A_83 = arith.constant 32768 : i32
        %mul3A_84 = arith.muli %add3A_82, %mul3A_83 : i32
        %dma_start3A_85 = tpu.memref_slice %arg2[%add3A, %mul3A_84] : memref<32x1048576xf32, #tpu.memory_space<hbm>> -> memref<1x32768xf32, #tpu.memory_space<hbm>>
        %dma_start3A_86 = tpu.memref_squeeze %dma_start3A_85 : memref<1x32768xf32, #tpu.memory_space<hbm>> -> memref<32768xf32, #tpu.memory_space<hbm>>
        %dma_start3A_87 = tpu.memref_slice %arg2[%add3A, %mul3A_84] : memref<32x1048576xf32, #tpu.memory_space<hbm>> -> memref<1x32768xf32, #tpu.memory_space<hbm>>
        %dma_start3A_88 = tpu.memref_squeeze %dma_start3A_87 : memref<1x32768xf32, #tpu.memory_space<hbm>> -> memref<32768xf32, #tpu.memory_space<hbm>>
        tpu.enqueue_dma source(%dma_start3A_88 : memref<32768xf32, #tpu.memory_space<hbm>>) target(%arg5 : memref<32768xf32, #tpu.memory_space<vmem>>) target_semaphore(%arg20 : memref<!tpu.dma_semaphore, #tpu.memory_space<semaphore_mem>>)
      } else {
      }
      %scan3A_80 = arith.constant 0 : i32
      scf.yield %scan3A_80 : i32
    }
    %scan3A_30 = arith.constant 16 : i32
    %iota3A_31 = tpu.iota {dimensions = array<i32: 0>} : vector<16xi32>
    %eq3A = arith.constant 0 : i32
    %eq3A_32 = vector.broadcast %eq3A : i32 to vector<16xi32>
    %eq3A_33 = arith.cmpi eq, %iota3A_31, %eq3A_32 : vector<16xi32>
    %scan3A_34 = arith.constant 0 : i32
    %scan3A_35 = arith.constant 128 : i32
    %scan3A_36 = arith.addi %scan3A_34, %scan3A_35 : i32
    %scan3A_37 = arith.constant 1 : i32
    %scan3A_38 = scf.for %scan3A_40 = %scan3A_34 to %scan3A_36 step %scan3A_37 iter_args(%scan3A_41 = %broadcast_in_dim3A_1) -> (vector<16xf32>)  : i32 {
      %mul3A_42 = arith.constant 2 : i32
      %mul3A_43 = arith.muli %scan3A_40, %mul3A_42 : i32
      %add3A_44 = arith.constant 0 : i32
      %add3A_45 = arith.addi %mul3A_43, %add3A_44 : i32
      %mul3A_46 = arith.constant 16 : i32
      %mul3A_47 = arith.muli %add3A_45, %mul3A_46 : i32
      %add3A_48 = arith.constant 16 : i32
      %add3A_49 = arith.addi %add3A_48, %mul3A_47 : i32
      %get3A = arith.index_cast %add3A_49 : i32 to index
      %get3A_50 = tpu.vector_load %arg6[%get3A] {strides = array<i32>} : memref<4128xf32, #tpu.memory_space<vmem>>, vector<16xf32>,
      %add3A_51 = arith.addf %broadcast_in_dim3A_1, %get3A_50 : vector<16xf32>
      %get3A_52 = arith.index_cast %add3A_49 : i32 to index
      %get3A_53 = tpu.vector_load %arg7[%get3A_52] {strides = array<i32>} : memref<4128xf32, #tpu.memory_space<vmem>>, vector<16xf32>,
      %add3A_54 = arith.addf %add3A_51, %get3A_53 : vector<16xf32>
      %get3A_55 = arith.index_cast %add3A_49 : i32 to index
      %get3A_56 = tpu.vector_load %arg8[%get3A_55] {strides = array<i32>} : memref<4128xf32, #tpu.memory_space<vmem>>, vector<16xf32>,
      %add3A_57 = arith.addf %add3A_54, %get3A_56 : vector<16xf32>
      %get3A_58 = arith.index_cast %add3A_49 : i32 to index
      %get3A_59 = tpu.vector_load %arg9[%get3A_58] {strides = array<i32>} : memref<4128xf32, #tpu.memory_space<vmem>>, vector<16xf32>,
      %add3A_60 = arith.addf %add3A_57, %get3A_59 : vector<16xf32>
      %get3A_61 = arith.index_cast %add3A_49 : i32 to index
      %get3A_62 = tpu.vector_load %arg10[%get3A_61] {strides = array<i32>} : memref<4128xf32, #tpu.memory_space<vmem>>, vector<16xf32>,
      %add3A_63 = arith.addf %add3A_60, %get3A_62 : vector<16xf32>
      %get3A_64 = arith.index_cast %add3A_49 : i32 to index
      %get3A_65 = tpu.vector_load %arg11[%get3A_64] {strides = array<i32>} : memref<4128xf32, #tpu.memory_space<vmem>>, vector<16xf32>,
      %add3A_66 = arith.addf %add3A_63, %get3A_65 : vector<16xf32>
      %get3A_67 = arith.index_cast %add3A_49 : i32 to index
      %get3A_68 = tpu.vector_load %arg12[%get3A_67] {strides = array<i32>} : memref<4128xf32, #tpu.memory_space<vmem>>, vector<16xf32>,
      %add3A_69 = arith.addf %broadcast_in_dim3A_1, %get3A_68 : vector<16xf32>
      %get3A_70 = arith.index_cast %add3A_49 : i32 to index
      %get3A_71 = tpu.vector_load %arg13[%get3A_70] {strides = array<i32>} : memref<4128xf32, #tpu.memory_space<vmem>>, vector<16xf32>,
      %add3A_72 = arith.addf %add3A_69, %get3A_71 : vector<16xf32>
      %get3A_73 = arith.index_cast %add3A_49 : i32 to index
      %get3A_74 = tpu.vector_load %arg14[%get3A_73] {strides = array<i32>} : memref<4128xf32, #tpu.memory_space<vmem>>, vector<16xf32>,
      %add3A_75 = arith.addf %add3A_72, %get3A_74 : vector<16xf32>
      %get3A_76 = arith.index_cast %add3A_49 : i32 to index
      %get3A_77 = tpu.vector_load %arg15[%get3A_76] {strides = array<i32>} : memref<4128xf32, #tpu.memory_space<vmem>>, vector<16xf32>,
      %add3A_78 = arith.addf %add3A_75, %get3A_77 : vector<16xf32>
      %get3A_79 = arith.index_cast %add3A_49 : i32 to index
      %get3A_80 = tpu.vector_load %arg16[%get3A_79] {strides = array<i32>} : memref<4128xf32, #tpu.memory_space<vmem>>, vector<16xf32>,
      %add3A_81 = arith.addf %add3A_78, %get3A_80 : vector<16xf32>
      %get3A_82 = arith.index_cast %add3A_49 : i32 to index
      %get3A_83 = tpu.vector_load %arg17[%get3A_82] {strides = array<i32>} : memref<4128xf32, #tpu.memory_space<vmem>>, vector<16xf32>,
      %add3A_84 = arith.addf %add3A_81, %get3A_83 : vector<16xf32>
      %sub3A = arith.subf %add3A_66, %add3A_84 : vector<16xf32>
      %add3A_85 = arith.addf %sub3A, %scan3A_41 : vector<16xf32>
      %reduce_sum3A = arith.constant true
      %reduce_sum3A_86 = vector.broadcast %reduce_sum3A : i1 to vector<16xi1>
      %reduce_sum3A_87 = tpu.scan <sum>, %add3A_85 masked %reduce_sum3A_86 : vector<16xf32>, vector<16xi1> -> vector<16xf32>
      %reduce_sum3A_88 = vector.extract %reduce_sum3A_87[15] : f32 from vector<16xf32>
      %add3A_89 = arith.constant 1 : i32
      %add3A_90 = arith.addi %mul3A_43, %add3A_89 : i32
      %mul3A_91 = arith.constant 16 : i32
      %mul3A_92 = arith.muli %add3A_90, %mul3A_91 : i32
      %add3A_93 = arith.constant 16 : i32
      %add3A_94 = arith.addi %add3A_93, %mul3A_92 : i32
      %get3A_95 = arith.index_cast %add3A_94 : i32 to index
      %get3A_96 = tpu.vector_load %arg6[%get3A_95] {strides = array<i32>} : memref<4128xf32, #tpu.memory_space<vmem>>, vector<16xf32>,
      %add3A_97 = arith.addf %broadcast_in_dim3A_1, %get3A_96 : vector<16xf32>
      %get3A_98 = arith.index_cast %add3A_94 : i32 to index
      %get3A_99 = tpu.vector_load %arg7[%get3A_98] {strides = array<i32>} : memref<4128xf32, #tpu.memory_space<vmem>>, vector<16xf32>,
      %add3A_100 = arith.addf %add3A_97, %get3A_99 : vector<16xf32>
      %get3A_101 = arith.index_cast %add3A_94 : i32 to index
      %get3A_102 = tpu.vector_load %arg8[%get3A_101] {strides = array<i32>} : memref<4128xf32, #tpu.memory_space<vmem>>, vector<16xf32>,
      %add3A_103 = arith.addf %add3A_100, %get3A_102 : vector<16xf32>
      %get3A_104 = arith.index_cast %add3A_94 : i32 to index
      %get3A_105 = tpu.vector_load %arg9[%get3A_104] {strides = array<i32>} : memref<4128xf32, #tpu.memory_space<vmem>>, vector<16xf32>,
      %add3A_106 = arith.addf %add3A_103, %get3A_105 : vector<16xf32>
      %get3A_107 = arith.index_cast %add3A_94 : i32 to index
      %get3A_108 = tpu.vector_load %arg10[%get3A_107] {strides = array<i32>} : memref<4128xf32, #tpu.memory_space<vmem>>, vector<16xf32>,
      %add3A_109 = arith.addf %add3A_106, %get3A_108 : vector<16xf32>
      %get3A_110 = arith.index_cast %add3A_94 : i32 to index
      %get3A_111 = tpu.vector_load %arg11[%get3A_110] {strides = array<i32>} : memref<4128xf32, #tpu.memory_space<vmem>>, vector<16xf32>,
      %add3A_112 = arith.addf %add3A_109, %get3A_111 : vector<16xf32>
      %get3A_113 = arith.index_cast %add3A_94 : i32 to index
      %get3A_114 = tpu.vector_load %arg12[%get3A_113] {strides = array<i32>} : memref<4128xf32, #tpu.memory_space<vmem>>, vector<16xf32>,
      %add3A_115 = arith.addf %broadcast_in_dim3A_1, %get3A_114 : vector<16xf32>
      %get3A_116 = arith.index_cast %add3A_94 : i32 to index
      %get3A_117 = tpu.vector_load %arg13[%get3A_116] {strides = array<i32>} : memref<4128xf32, #tpu.memory_space<vmem>>, vector<16xf32>,
      %add3A_118 = arith.addf %add3A_115, %get3A_117 : vector<16xf32>
      %get3A_119 = arith.index_cast %add3A_94 : i32 to index
      %get3A_120 = tpu.vector_load %arg14[%get3A_119] {strides = array<i32>} : memref<4128xf32, #tpu.memory_space<vmem>>, vector<16xf32>,
      %add3A_121 = arith.addf %add3A_118, %get3A_120 : vector<16xf32>
      %get3A_122 = arith.index_cast %add3A_94 : i32 to index
      %get3A_123 = tpu.vector_load %arg15[%get3A_122] {strides = array<i32>} : memref<4128xf32, #tpu.memory_space<vmem>>, vector<16xf32>,
      %add3A_124 = arith.addf %add3A_121, %get3A_123 : vector<16xf32>
      %get3A_125 = arith.index_cast %add3A_94 : i32 to index
      %get3A_126 = tpu.vector_load %arg16[%get3A_125] {strides = array<i32>} : memref<4128xf32, #tpu.memory_space<vmem>>, vector<16xf32>,
      %add3A_127 = arith.addf %add3A_124, %get3A_126 : vector<16xf32>
      %get3A_128 = arith.index_cast %add3A_94 : i32 to index
      %get3A_129 = tpu.vector_load %arg17[%get3A_128] {strides = array<i32>} : memref<4128xf32, #tpu.memory_space<vmem>>, vector<16xf32>,
      %add3A_130 = arith.addf %add3A_127, %get3A_129 : vector<16xf32>
      %sub3A_131 = arith.subf %add3A_112, %add3A_130 : vector<16xf32>
      %add3A_132 = arith.addf %sub3A_131, %add3A_84 : vector<16xf32>
      %reduce_sum3A_133 = arith.constant true
      %reduce_sum3A_134 = vector.broadcast %reduce_sum3A_133 : i1 to vector<16xi1>
      %reduce_sum3A_135 = tpu.scan <sum>, %add3A_132 masked %reduce_sum3A_134 : vector<16xf32>, vector<16xi1> -> vector<16xf32>
      %reduce_sum3A_136 = vector.extract %reduce_sum3A_135[15] : f32 from vector<16xf32>
      %broadcast_in_dim3A_137 = vector.broadcast %reduce_sum3A_88 : f32 to vector<16xf32>
      %add3A_138 = arith.constant 0 : i32
      %add3A_139 = arith.addi %mul3A_43, %add3A_138 : i32
      %broadcast_in_dim3A_140 = vector.broadcast %add3A_139 : i32 to vector<16xi32>
      tpu.vector_store_idx %arg18[%broadcast_in_dim3A_140], %broadcast_in_dim3A_137 masked %eq3A_33 : memref<256xf32, #tpu.memory_space<vmem>>[vector<16xi32>], vector<16xf32>, vector<16xi1>
      %broadcast_in_dim3A_141 = vector.broadcast %reduce_sum3A_136 : f32 to vector<16xf32>
      %add3A_142 = arith.constant 1 : i32
      %add3A_143 = arith.addi %mul3A_43, %add3A_142 : i32
      %broadcast_in_dim3A_144 = vector.broadcast %add3A_143 : i32 to vector<16xi32>
      tpu.vector_store_idx %arg18[%broadcast_in_dim3A_144], %broadcast_in_dim3A_141 masked %eq3A_33 : memref<256xf32, #tpu.memory_space<vmem>>[vector<16xi32>], vector<16xf32>, vector<16xi1>
      scf.yield %add3A_130 : vector<16xf32>
    }
    %scan3A_39 = arith.constant 128 : i32
    "tpu.region"() ({
      %run_scoped3A = tpu.sem_alloc : memref<!tpu.dma_semaphore, #tpu.memory_space<semaphore_mem>>
      %dma_start3A_40 = arith.constant 0 : i32
      %dma_start3A_41 = tpu.memref_slice %arg3[%add3A, %dma_start3A_40] : memref<32x256xf32, #tpu.memory_space<hbm>> -> memref<1x256xf32, #tpu.memory_space<hbm>>
      %dma_start3A_42 = tpu.memref_squeeze %dma_start3A_41 : memref<1x256xf32, #tpu.memory_space<hbm>> -> memref<256xf32, #tpu.memory_space<hbm>>
      %dma_start3A_43 = arith.constant 0 : i32
      %dma_start3A_44 = tpu.memref_slice %arg3[%add3A, %dma_start3A_43] : memref<32x256xf32, #tpu.memory_space<hbm>> -> memref<1x256xf32, #tpu.memory_space<hbm>>
      %dma_start3A_45 = tpu.memref_squeeze %dma_start3A_44 : memref<1x256xf32, #tpu.memory_space<hbm>> -> memref<256xf32, #tpu.memory_space<hbm>>
      tpu.enqueue_dma source(%arg18 : memref<256xf32, #tpu.memory_space<vmem>>) target(%dma_start3A_45 : memref<256xf32, #tpu.memory_space<hbm>>) target_semaphore(%run_scoped3A : memref<!tpu.dma_semaphore, #tpu.memory_space<semaphore_mem>>)
      %dma_wait3A = arith.constant 0 : i32
      %dma_wait3A_46 = tpu.memref_slice %arg3[%add3A, %dma_wait3A] : memref<32x256xf32, #tpu.memory_space<hbm>> -> memref<1x256xf32, #tpu.memory_space<hbm>>
      %dma_wait3A_47 = tpu.memref_squeeze %dma_wait3A_46 : memref<1x256xf32, #tpu.memory_space<hbm>> -> memref<256xf32, #tpu.memory_space<hbm>>
      %dma_wait3A_48 = arith.constant 0 : i32
      %dma_wait3A_49 = tpu.memref_slice %arg3[%add3A, %dma_wait3A_48] : memref<32x256xf32, #tpu.memory_space<hbm>> -> memref<1x256xf32, #tpu.memory_space<hbm>>
      %dma_wait3A_50 = tpu.memref_squeeze %dma_wait3A_49 : memref<1x256xf32, #tpu.memory_space<hbm>> -> memref<256xf32, #tpu.memory_space<hbm>>
      tpu.wait_dma2 semaphore(%run_scoped3A : memref<!tpu.dma_semaphore, #tpu.memory_space<semaphore_mem>>) src(%arg18 : memref<256xf32, #tpu.memory_space<vmem>>) dst(%dma_wait3A_50 : memref<256xf32, #tpu.memory_space<hbm>>)
      tpu.yield
    }) : () -> ()
    return
  }
}

</mosaic_0001>

<sc_bundles>
// kernel: kernel.3.cloned.1.call-start
scs
__scs_entry_jumppad:
0x0: {  	(pc) =	sbr.rel $0x88, $3  }
0x1: {  	(tag) =	ssettag $0x0;
	lr =	simm.s32 $0x1  }
0x2: {  	[smem:$0x3FA0] =	sst lr;
	_ =	strace $0xD0000000  }
0x3: {  	_ = 	snop  }
0x4: {  	_ = 	snop  }
0x5: {  	_ = 	snop  }
0x6: {  	_ = 	snop  }
0x7: {  	_ = 	snop  }
__scs_overlays_trampoline_lowered:
0x8: {  	[smem:$0x3FAF] =	sst s0  }
0x9: {  	[smem:$0x3FB0] =	sst s1  }
0xa: {  	[smem:$0x3FB1] =	sst s2  }
0xb: {  	[smem:$0x3FB2] =	sst s3  }
0xc: {  	[smem:$0x3FB3] =	sst s4  }
0xd: {  	[smem:$0x3FB4] =	sst s5  }
0xe: {  	[smem:$0x3FB5] =	sst s6  }
0xf: {  	[smem:$0x3FB6] =	sst s7  }
0x10: {  	[smem:$0x3FB7] =	sst s8  }
0x11: {  	[smem:$0x3FB8] =	sst s9;
	s0 =	simm.s32 @!p0 $0x0  }
0x12: {  	s1 =	sld [smem:$0x3F9E];
	s0 =	simm.s32 @p0 $0x1  }
0x13: {  	[smem:$0x3FB9] =	sst s0;
	s0 =	simm.s32 @!p1 $0x0  }
0x14: {  	s2 =	sld [smem:$0x3F9D];
	s0 =	simm.s32 @p1 $0x1  }
0x15: {  	[smem:$0x3FBA] =	sst s0;
	s0 =	simm.s32 @!p2 $0x0  }
0x16: {  	s3 =	sld [smem:$0x3FDB];
	s0 =	simm.s32 @p2 $0x1  }
0x17: {  	s4 =	simm.s32 $0x1BF5;
	[smem:$0x3FBC] =	sst s0  }
0x18: {  	s0 =	sld [smem:$0x3F9F];
	_ =	swait.ge [sflag:s4], $0x0  }
0x19: {  	s7 =	sld [smem:$0x3FA0]  }
0x1a: {  	s8 =	sadd.s32 $0xFFFFE003, lr  }
0x1b: {  	s9 =	sadd.s32 $0xFFFFFEF7, lr;
	s5 =	simm.s32 $0xFFFFFFFF;
	p2 =	slt.u32 s8, $0xFFFFF086  }
0x1c: {  	p1 =	slt.u32 s9, $0xF7A;
	s5 =	simm.s32 @!p2 $0x0  }
0x1d: {  	s5 =	simm.s32 @p1 $0x1;
	p0 =	seq.s32 s7, s2  }
0x1e: {  	s7 =	smul.u32 @!p0 $0xF7A, s2;
	p2 =	seq.s32 @!p0 s5, $0x0  }
0x1f: {  	s9 =	smul.u32 $0xF7A, s1;
	s8 =	simm.s32 @!p0 $0x1BF5;
	p2 =	por !p2, p0  }
0x20: {  	[sflag:s8] =	ssyncset.s32 @!p0 $0xFFFFF086;
	s6 =	sadd.s32 @!p0 s3, s7;
	s7 =	simm.s32 @!p0 $0x108  }
0x21: {  	s3 =	sadd.s32 s3, s9;
	s6 =	sadd.s32 @!p0 $0x88, s6;
	s7 =	simm.s32 @p2 $0x1082  }
0x22: {  	[simem:s7], [sflag:s8] =	dma.local @!p0 [hbm:s6], $0xF7A  }
0x23: {  	s9 =	sor.u32 $0xD0000000, s2;
	s6 =	simm.s32 $0x108;
	_ =	swait.ge @!p0 [sflag:s8], $0x0  }
0x24: {  	s3 =	sadd.s32 $0x88, s3;
	s6 =	simm.s32 @!p1 $0x1082;
	[sflag:s4] =	ssyncset.s32 $0xFFFFF086  }
0x25: {  	[simem:s6], [sflag:s4] =	dma.local [hbm:s3], $0xF7A  }
0x26: {  	[smem:$0x3FA0] =	sst s1;
	(tag) =	ssettag s2;
	_ =	strace s9  }
0x27: {  	s1 =	sld [smem:$0x3FB0]  }
0x28: {  	s2 =	sld [smem:$0x3FB1]  }
0x29: {  	s4 =	sld [smem:$0x3FB3]  }
0x2a: {  	p0 =	seq.s32 s5, $0x0;
	s5 =	sld [smem:$0x3FB4]  }
0x2b: {  	s6 =	sld [smem:$0x3FB5]  }
0x2c: {  	s7 =	sld [smem:$0x3FB6]  }
0x2d: {  	s3 =	simm.s32 $0x108;
	s8 =	sld [smem:$0x3FB7]  }
0x2e: {  	s3 =	simm.s32 @!p0 $0x1082;
	s9 =	sld [smem:$0x3FB8]  }
0x2f: {  	lr =	sadd.s32 s0, s3;
	s0 =	sld [smem:$0x3FAF]  }
0x30: {  	s3 =	sld [smem:$0x3FB2]  }
0x31: {  	[smem:$0x3FBB] =	sst s10  }
0x32: {  	s10 =	sld [smem:$0x3FB9];
	_ =	sdelay $0x3  }
0x33: {  	p0 =	seq.s32 s10, $0x1;
	s10 =	sld [smem:$0x3FBB];
	_ =	sdelay $0x3  }
0x34: {  	[smem:$0x3FBB] =	sst s10  }
0x35: {  	s10 =	sld [smem:$0x3FBA];
	_ =	sdelay $0x3  }
0x36: {  	p1 =	seq.s32 s10, $0x1;
	s10 =	sld [smem:$0x3FBB];
	_ =	sdelay $0x3  }
0x37: {  	[smem:$0x3FBB] =	sst s10  }
0x38: {  	s10 =	sld [smem:$0x3FBC]  }
0x39: {  	_ = 	snop;
	(pc) =	sbr.ind lr, $3  }
0x3a: {  	_ = 	snop  }
0x3b: {  	_ = 	snop  }
0x3c: {  	p2 =	seq.s32 s10, $0x1;
	s10 =	sld [smem:$0x3FBB]  }
0x3d: {  	_ =	shalt  }
0x3e: {  	_ =	shalt  }
0x3f: {  	_ =	shalt  }
0x40: {  	_ =	shalt  }
0x41: {  	_ =	shalt  }
0x42: {  	_ =	shalt  }
0x43: {  	_ =	shalt  }
0x44: {  	_ =	shalt  }
0x45: {  	_ =	shalt  }
0x46: {  	_ =	shalt  }
0x47: {  	_ =	shalt  }
0x48: {  	_ =	shalt  }
0x49: {  	_ =	shalt  }
0x4a: {  	_ =	shalt  }
0x4b: {  	_ =	shalt  }
0x4c: {  	_ =	shalt  }
0x4d: {  	_ =	shalt  }
0x4e: {  	_ =	shalt  }
0x4f: {  	_ =	shalt  }
0x50: {  	_ =	shalt  }
0x51: {  	_ =	shalt  }
0x52: {  	_ =	shalt  }
0x53: {  	_ =	shalt  }
0x54: {  	_ =	shalt  }
0x55: {  	_ =	shalt  }
0x56: {  	_ =	shalt  }
0x57: {  	_ =	shalt  }
0x58: {  	_ =	shalt  }
0x59: {  	_ =	shalt  }
0x5a: {  	_ =	shalt  }
0x5b: {  	_ =	shalt  }
0x5c: {  	_ =	shalt  }
0x5d: {  	_ =	shalt  }
0x5e: {  	_ =	shalt  }
0x5f: {  	_ =	shalt  }
0x60: {  	_ =	shalt  }
0x61: {  	_ =	shalt  }
0x62: {  	_ =	shalt  }
0x63: {  	_ =	shalt  }
0x64: {  	_ =	shalt  }
0x65: {  	_ =	shalt  }
0x66: {  	_ =	shalt  }
0x67: {  	_ =	shalt  }
0x68: {  	_ =	shalt  }
0x69: {  	_ =	shalt  }
0x6a: {  	_ =	shalt  }
0x6b: {  	_ =	shalt  }
0x6c: {  	_ =	shalt  }
0x6d: {  	_ =	shalt  }
0x6e: {  	_ =	shalt  }
0x6f: {  	_ =	shalt  }
0x70: {  	_ =	shalt  }
0x71: {  	_ =	shalt  }
0x72: {  	_ =	shalt  }
0x73: {  	_ =	shalt  }
0x74: {  	_ =	shalt  }
0x75: {  	_ =	shalt  }
0x76: {  	_ =	shalt  }
0x77: {  	_ =	shalt  }
0x78: {  	_ =	shalt  }
0x79: {  	_ =	shalt  }
0x7a: {  	_ =	shalt  }
0x7b: {  	_ =	shalt  }
0x7c: {  	_ =	shalt  }
0x7d: {  	_ =	shalt  }
0x7e: {  	_ =	shalt  }
0x7f: {  	_ =	shalt  }
0x80: {  	_ =	shalt  }
0x81: {  	_ =	shalt  }
0x82: {  	_ =	shalt  }
0x83: {  	_ =	shalt  }
0x84: {  	_ =	shalt  }
0x85: {  	_ =	shalt  }
0x86: {  	_ =	shalt  }
0x87: {  	_ =	shalt  }
.Lfunc_end0:
.L_simem_size_0:
called_computation_lowered:
.L_overlay_start_0:
0x88: {  	s2 =	sld [smem:$0x3FD9]  }
0x89: {  	s3 =	sld [smem:$0x3FFE];
	_ =	sdelay $0x1  }
0x8a: {  	s1 =	srdreg.scid  }
0x8b: {  	s0 =	sand.u32 $0x1, s1  }
0x8c: {  	s18 =	sshll.u32 s0, $0xA;
	s2 =	sadd.s32 s3, s2  }
0x8d: {  	s2 =	sadd.s32 s2, s18  }
0x8e: {  	[smem:$0x3FC7] =	sst s2  }
0x8f: {  	_ = 	snop  }
0x90: {  	s2 =	sld [smem:$0x3FC9]  }
0x91: {  	s19 =	sld [smem:$0x3FD0];
	(tm) =	ssettm $0x1  }
0x92: {  	s4 =	sld [smem:$0x3FFB];
	_ =	sdelay $0x3  }
0x93: {  	_ =	strace s4  }
0x94: {  	s4 =	sld [smem:$0x3FFC];
	_ =	sdelay $0x3  }
0x95: {  	_ =	strace s4  }
0x96: {  	s4 =	sld [smem:$0x3FFD];
	_ =	sdelay $0x3  }
0x97: {  	_ =	strace s4  }
0x98: {  	_ =	strace $0x8FFFFFFF  }
0x99: {  	s20 =	sld [smem:$0x3FDB];
	_ =	sdelay $0x1  }
0x9a: {  	s5 =	simm.s32 $_scs_section_size  }
0x9b: {  	s6 =	simm.s32 $_size__tile_overlayer_lowered;
	s7 =	simm.s32 $_tile_overlayer_lowered  }
0x9c: {  	s23 =	simm.s32 $0x1BFF;
	s22 =	sshll.u32 s7, $0x1;
	s4 =	sadd.s32 s5, s20  }
0x9d: {  	s8 =	simm.s32 $0x0;
	s21 =	sshll.u32 s6, $0x1;
	s6 =	sadd.s32 s22, s4  }
0x9e: {  	[timem:s8], [sflag:s23] =	dma.local [hbm:s6], s21  }
0x9f: {  	_ =	swait.ge [sflag:s23], s21  }
0xa0: {  	s5 =	ssub.s32 $0x0, s21;
	[sflag:s23] =	ssyncset.done $0x0  }
0xa1: {  	[sflag:s23] =	ssyncadd.s32 s5;
	_ =	sdelay $0x1  }
0xa2: {  	s24 =	simm.s32 $0x1B8B  }
0xa3: {  	_ =	swait.ge [sflag:s24], $0x1  }
0xa4: {  	[sflag:s24] =	ssyncset.done $0x0  }
0xa5: {  	s25 =	simm.s32 $0x1B8E;
	[sflag:s24] =	ssyncadd.s32 $0xFFFFFFFF  }
0xa6: {  	s26 =	simm.s32 $execute0_lowered;
	[smem:$0x3FD2] =	sst s25  }
0xa7: {  	s5 =	sshll.u32 s26, $0x1;
	_ =	strace $0x80000046;
	[dreg:$0x1] =	wrdreg $0xFFFFFFFF  }
0xa8: {  	s28 =	simm.s32 $_size_execute0_lowered;
	s4 =	sadd.s32 s4, s5;
	[dreg:$0x0] =	wrdreg $0x0  }
0xa9: {  	s5 =	sshll.u32 s28, $0x1;
	[dreg:$0x2] =	wrdreg s4  }
0xaa: {  	[dreg:$0x3] =	wrdreg s5  }
0xab: {  	[dreg:$0x4] =	wrdreg $0xC0  }
0xac: {  	_ =	task [dreg:s8], $0x5FFFF  }
0xad: {  	[dreg:$0x1] =	wrdreg $0xFFFFFFFF  }
0xae: {  	[dreg:$0x0] =	wrdreg $0x60  }
0xaf: {  	[dreg:$0x2] =	wrdreg s2  }
0xb0: {  	[dreg:$0x3] =	wrdreg s19  }
0xb1: {  	[dreg:$0x4] =	wrdreg $0x9  }
0xb2: {  	_ =	task.clear_ibuf [dreg:s8], $0x5FFFF;
	_ =	strace $0x90000046  }
0xb3: {  	s29 =	simm.s32 $0x9;
	_ =	strace $0x80000048  }
0xb4: {  	_ =	swait.ge [sflag:s29], $0x1  }
0xb5: {  	[sflag:s29] =	ssyncadd.s32 $0xFFFFFFFF  }
0xb6: {  	_ =	strace $0x90000048  }
0xb7: {  	_ =	sfence  }
0xb8: {  	s30 =	sld [smem:$0x0];
	_ =	sdelay $0x2  }
0xb9: {  	s31 =	sshll.u32 s1, $0xD;
	s1 =	sshrl.u32 s1, $0x2  }
0xba: {  	s3 =	sand.u32 $0x4000, s31;
	s1 =	sadd.s32 s1, s30  }
0xbb: {  	s0 =	sor.u32 s3, s0;
	s1 =	sshll.u32 s1, $0x11  }
0xbc: {  	s0 =	sor.u32 s1, s0  }
0xbd: {  	s0 =	sadd.s32 $0x8F2B, s0  }
0xbe: {  	[sflag:s0] =	ssyncadd.remote.s32 $0x1  }
0xbf: {  	_ =	sfence.sel $0xFFFF  }
0xc0: {  	[dreg:$0x0] =	wrdreg $0xFFFFFFFF;
	(pc) =	sbr.abs _section_cstart, $3  }
0xc1: {  	[dreg:$0x1] =	wrdreg $0xFFFFFFFF  }
0xc2: {  	_ =	task.clear_ibuf [dreg:s8], $0x2FFFF;
	_ =	strace $0x9FFFFFFF  }
0xc3: {  	(tm) =	ssettm $0x7FFFFFFF  }
tec
execute0_lowered:
.L_overlay_start_1:
0x0: {  	(tag) =	ssettag $0x1  }
0x1: {  	s2 =	rddreg [dreg:$0x0]  }
0x2: {  	s0 =	rddreg [dreg:$0x1]  }
0x3: {  	s1 =	srdreg.scid;
	s3 =	stileid.u32;
	s7 =	simm.s32 $0x0  }
0x4: {  	s10 =	simm.s32 $0x80;
	s11 =	simm.s32 $0x400;
	s12 =	simm.s32 $0x8000  }
0x5: {  	s13 =	simm.s32 $0x1;
	s14 =	simm.s32 $0x10000;
	s15 =	simm.s32 $0x16300  }
0x6: {  	s16 =	simm.s32 $0x11080;
	s17 =	simm.s32 $0x17380;
	s18 =	simm.s32 $0x12100  }
0x7: {  	s19 =	simm.s32 $0x18400;
	s20 =	simm.s32 $0x13180;
	s21 =	simm.s32 $0x19480  }
0x8: {  	s22 =	simm.s32 $0x14200;
	s23 =	simm.s32 $0x1A500;
	s28 =	simm.s32 $0x1C600  }
0x9: {  	s29 =	simm.s32 $0x3;
	s30 =	simm.s32 $0x0;
	s1 =	sand.u32 $0x1, s1  }
0xa: {  	s4 =	sshll.u32 s3, $0x8;
	s5 =	sshrl.u32 s3, $0x2;
	[smem:$0x7FF] =	sst s7  }
0xb: {  	s6 =	sshll.u32 s1, $0x7;
	s4 =	sand.u32 $0x300, s4;
	s24 =	sshll.u32 s5, $0x17  }
0xc: {  	_ =	strace $0x80000047;
	s1 =	ssub.s32 $0x2, s1;
	s6 =	sor.u32 s6, s4  }
0xd: {  	s5 =	sshll.u32 s5, $0xB;
	s8 =	sshrl.u32 s1, $0x1;
	s7 =	sor.u32 s24, s6  }
0xe: {  	s6 =	sor.u32 s5, s6;
	s1 =	ssub.s32 s1, s8;
	s24 =	simm.s32 $0x15280  }
0xf: {  	s25 =	sshrl.u32 s7, $0x3;
	s31 =	sshrl.u32 s6, $0x3;
	s6 =	sor.u32 $0x80000, s7  }
0x10: {  	s7 =	sor.u32 $0xC0000, s7;
	s4 =	sadd.s32 s2, s25;
	s0 =	sadd.s32 s0, s31  }
0x11: {  	v1 =	vlaneseq.u32;
	s9 =	smax.u32 s1, $0x1;
	s26 =	sadd.s32 $0x8000, s4;
	[dreg:$0x4] =	wrdreg s0  }
0x12: {  	v0 =	vimm.f32 $0.0e+00;
	v2 =	vimm.f32 $1.000000000e+00;
	v1 =	vor.u32 $0x10, v1;
	s25 =	simm.s32 $0x1B580;
	[dreg:$0x3] =	wrdreg s26;
	s26 =	simm.s32 $0x2  }
.LBB2_1:
0x13: {  	s0 =	simm.s32 $0x0  }
0x14: {  	[tilespmem:s0], [sflag:$0x1] =	stream.strided.gather [hbm4b:s4+s10], $0x8000, s11, s10, $0x38;
	[tilespmem:$0x1C700] =	vst v63  }
0x15: {  	s31 =	rddreg [dreg:$0x3];
	s1 =	simm.s32 $0x80;
	s0 =	simm.s32 $0x0  }
0x16: {  	[tilespmem:s12], [sflag:$0x2] =	stream.strided.gather [hbm4b:s31+s10], $0x8000, s11, s10, $0x38;
	[tilespmem:$0x1C700] =	vst v63  }
.LBB2_2:
0x17: {  	p0 =	sne.s32 s1, $0x4000;
	[tilespmem:s0+$0x1B590] =	vst v0  }
0x18: {  	[tilespmem:s0+$0x10000] =	vst v0  }
0x19: {  	[tilespmem:s0+$0x10010] =	vst v0  }
0x1a: {  	[tilespmem:s0+$0x11080] =	vst v0  }
0x1b: {  	[tilespmem:s0+$0x11090] =	vst v0  }
0x1c: {  	[tilespmem:s0+$0x12100] =	vst v0  }
0x1d: {  	[tilespmem:s0+$0x12110] =	vst v0  }
0x1e: {  	[tilespmem:s0+$0x13180] =	vst v0  }
0x1f: {  	[tilespmem:s0+$0x13190] =	vst v0  }
0x20: {  	[tilespmem:s0+$0x14200] =	vst v0  }
0x21: {  	[tilespmem:s0+$0x14210] =	vst v0  }
0x22: {  	[tilespmem:s0+$0x15280] =	vst v0  }
0x23: {  	[tilespmem:s0+$0x15290] =	vst v0  }
0x24: {  	[tilespmem:s0+$0x16300] =	vst v0  }
0x25: {  	[tilespmem:s0+$0x16310] =	vst v0  }
0x26: {  	[tilespmem:s0+$0x17380] =	vst v0  }
0x27: {  	[tilespmem:s0+$0x17390] =	vst v0  }
0x28: {  	[tilespmem:s0+$0x18400] =	vst v0  }
0x29: {  	[tilespmem:s0+$0x18410] =	vst v0  }
.Ltmp0:
0x2a: {  	[tilespmem:s0+$0x19480] =	vst v0;
	(pc) =	sbr.rel @p0 .LBB2_2-.Ltmp0, $4  }
0x2b: {  	[tilespmem:s0+$0x19490] =	vst v0  }
0x2c: {  	[tilespmem:s0+$0x1A500] =	vst v0  }
0x2d: {  	[tilespmem:s0+$0x1A510] =	vst v0  }
0x2e: {  	[tilespmem:s0+$0x1B580] =	vst v0;
	s0 =	sshra.s32 s1, $0x2;
	s1 =	sadd.s32 $0x80, s1  }
0x2f: {  	[tilespmem:s0+$0x1B590] =	vst v0  }
0x30: {  	[tilespmem:s0+$0x10000] =	vst v0  }
0x31: {  	[tilespmem:s0+$0x10010] =	vst v0  }
0x32: {  	[tilespmem:s0+$0x11080] =	vst v0  }
0x33: {  	[tilespmem:s0+$0x11090] =	vst v0  }
0x34: {  	[tilespmem:s0+$0x12100] =	vst v0  }
0x35: {  	[tilespmem:s0+$0x12110] =	vst v0  }
0x36: {  	[tilespmem:s0+$0x13180] =	vst v0  }
0x37: {  	[tilespmem:s0+$0x13190] =	vst v0  }
0x38: {  	[tilespmem:s0+$0x14200] =	vst v0  }
0x39: {  	[tilespmem:s0+$0x14210] =	vst v0  }
0x3a: {  	[tilespmem:s0+$0x15280] =	vst v0  }
0x3b: {  	[tilespmem:s0+$0x15290] =	vst v0  }
0x3c: {  	[tilespmem:s0+$0x16300] =	vst v0  }
0x3d: {  	[tilespmem:s0+$0x16310] =	vst v0  }
0x3e: {  	[tilespmem:s0+$0x17380] =	vst v0  }
0x3f: {  	[tilespmem:s0+$0x17390] =	vst v0  }
0x40: {  	[tilespmem:s0+$0x18400] =	vst v0  }
0x41: {  	[tilespmem:s0+$0x18410] =	vst v0  }
0x42: {  	[tilespmem:s0+$0x19480] =	vst v0  }
0x43: {  	[tilespmem:s0+$0x19490] =	vst v0  }
0x44: {  	[tilespmem:s0+$0x1A500] =	vst v0  }
0x45: {  	[tilespmem:s0+$0x1A510] =	vst v0  }
0x46: {  	s31 =	simm.s32 $0x0;
	[tilespmem:s0+$0x1B580] =	vst v0  }
.LBB2_4:
0x47: {  	_ =	swait.ge [sflag:s13], $0x8000  }
0x48: {  	[sflag:s13] =	ssyncset.done $0x0  }
0x49: {  	s0 =	simm.s32 $0x0;
	[sflag:s13] =	ssyncadd.s32 $0xFFFF8000  }
0x4a: {  	v4 =	vld [tilespmem:s0+$0x10]  }
0x4b: {  	v3 =	vld [tilespmem:s0+$0xD0]  }
0x4c: {  	v5 =	vld [tilespmem:s0+$0x0]  }
0x4d: {  	v6 =	vld [tilespmem:s0+$0xC0]  }
0x4e: {  	v7 =	vld [tilespmem:s0+$0x20]  }
0x4f: {  	v8 =	vld [tilespmem:s0+$0xB0]  }
0x50: {  	v9 =	vld [tilespmem:s0+$0x30]  }
0x51: {  	v10 =	vld [tilespmem:s0+$0xA0];
	v11 =	vtrunc.f32 v5  }
0x52: {  	v12 =	vld [tilespmem:s0+$0x40];
	v11 =	vcvt.f32.s32 v11  }
0x53: {  	v14 =	vld [tilespmem:s0+$0x90];
	v13 =	vtrunc.f32 v4  }
0x54: {  	v15 =	vld [tilespmem:s0+$0x50];
	v13 =	vcvt.f32.s32 v13;
	v16 =	vshll.u32 v11, $0x4  }
0x55: {  	v18 =	vld [tilespmem:s0+$0x80];
	v17 =	vtrunc.f32 v7;
	v16 =	vadd.s32 v1, v16  }
0x56: {  	v20 =	vld [tilespmem:s0+$0x60];
	v17 =	vcvt.f32.s32 v17;
	v19 =	vshll.u32 v13, $0x4  }
0x57: {  	v22 =	vld [tilespmem:s0+$0x70];
	v21 =	vtrunc.f32 v9;
	v11 =	vcvt.s32.f32 v11;
	v19 =	vadd.s32 v1, v19  }
0x58: {  	v24 =	vld [tilespmem:s0+$0xE0];
	v25 =	vtrunc.f32 v12;
	v21 =	vcvt.f32.s32 v21;
	v23 =	vshll.u32 v17, $0x4  }
0x59: {  	v26 =	vld [tilespmem:s0+$0xF0];
	v13 =	vcvt.s32.f32 v13;
	v23 =	vadd.s32 v1, v23;
	v5 =	vsub.f32 v5, v11  }
0x5a: {  	v38 =	vcvt.f32.s32 v25;
	v37 =	vcvt.s32.f32 v17;
	v39 =	vshll.u32 v21, $0x4;
	[tilespmem:v16+s14+$0x0] =	vst.idx.add.f32.msk $0xffff, v2  }
0x5b: {  	v40 =	vtrunc.f32 v15;
	v25 =	vadd.s32 v1, v39;
	v4 =	vsub.f32 v4, v13;
	[tilespmem:v16+s15+$0x0] =	vst.idx.add.f32.msk $0xffff, v5  }
0x5c: {  	v41 =	vshll.u32 v38, $0x4;
	v5 =	vsub.f32 v7, v37;
	v7 =	vcvt.f32.s32 v40;
	[tilespmem:v19+s16+$0x0] =	vst.idx.add.f32.msk $0xffff, v2  }
0x5d: {  	v43 =	vtrunc.f32 v20;
	v42 =	vcvt.s32.f32 v21;
	v11 =	vadd.s32 v1, v41;
	[tilespmem:v19+s17+$0x0] =	vst.idx.add.f32.msk $0xffff, v4  }
0x5e: {  	v45 =	vtrunc.f32 v22;
	v16 =	vcvt.f32.s32 v43;
	v44 =	vshll.u32 v7, $0x4;
	[tilespmem:v23+s18+$0x0] =	vst.idx.add.f32.msk $0xffff, v2  }
0x5f: {  	v9 =	vsub.f32 v9, v42;
	v4 =	vcvt.s32.f32 v38;
	v17 =	vadd.s32 v1, v44;
	[tilespmem:v23+s19+$0x0] =	vst.idx.add.f32.msk $0xffff, v5  }
0x60: {  	v47 =	vtrunc.f32 v18;
	v46 =	vcvt.f32.s32 v45;
	v5 =	vshll.u32 v16, $0x4;
	[tilespmem:v25+s20+$0x0] =	vst.idx.add.f32.msk $0xffff, v2  }
0x61: {  	v7 =	vcvt.s32.f32 v7;
	v4 =	vsub.f32 v12, v4;
	v5 =	vadd.s32 v1, v5;
	[tilespmem:v25+s21+$0x0] =	vst.idx.add.f32.msk $0xffff, v9  }
0x62: {  	v50 =	vtrunc.f32 v14;
	v49 =	vshll.u32 v46, $0x4;
	v13 =	vcvt.f32.s32 v47;
	[tilespmem:v11+s22+$0x0] =	vst.idx.add.f32.msk $0xffff, v2  }
0x63: {  	v48 =	vcvt.s32.f32 v16;
	v7 =	vsub.f32 v15, v7;
	v16 =	vadd.s32 v1, v49;
	[tilespmem:v11+s23+$0x0] =	vst.idx.add.f32.msk $0xffff, v4  }
0x64: {  	v53 =	vtrunc.f32 v10;
	v52 =	vcvt.f32.s32 v50;
	v51 =	vshll.u32 v13, $0x4;
	[tilespmem:v17+s24+$0x0] =	vst.idx.add.f32.msk $0xffff, v2  }
0x65: {  	v12 =	vcvt.s32.f32 v46;
	v9 =	vadd.s32 v1, v51;
	v4 =	vsub.f32 v20, v48;
	[tilespmem:v17+s25+$0x0] =	vst.idx.add.f32.msk $0xffff, v7  }
0x66: {  	v54 =	vshll.u32 v52, $0x4;
	v13 =	vcvt.s32.f32 v13;
	v15 =	vcvt.f32.s32 v53;
	[tilespmem:v5+s14+$0x0] =	vst.idx.add.f32.msk $0xffff, v2  }
0x67: {  	v12 =	vsub.f32 v22, v12;
	v7 =	vtrunc.f32 v8;
	v17 =	vadd.s32 v1, v54;
	[tilespmem:v5+s15+$0x0] =	vst.idx.add.f32.msk $0xffff, v4  }
0x68: {  	v13 =	vsub.f32 v18, v13;
	v5 =	vcvt.f32.s32 v7;
	v7 =	vshll.u32 v15, $0x4;
	[tilespmem:v16+s16+$0x0] =	vst.idx.add.f32.msk $0xffff, v2  }
0x69: {  	v11 =	vcvt.s32.f32 v52;
	v4 =	vtrunc.f32 v6;
	v7 =	vadd.s32 v1, v7;
	[tilespmem:v16+s17+$0x0] =	vst.idx.add.f32.msk $0xffff, v12  }
0x6a: {  	v55 =	vtrunc.f32 v3;
	v4 =	vcvt.f32.s32 v4;
	v56 =	vshll.u32 v5, $0x4;
	[tilespmem:v9+s18+$0x0] =	vst.idx.add.f32.msk $0xffff, v2  }
0x6b: {  	v11 =	vsub.f32 v14, v11;
	v15 =	vcvt.s32.f32 v15;
	v57 =	vadd.s32 v1, v56;
	[tilespmem:v9+s19+$0x0] =	vst.idx.add.f32.msk $0xffff, v13  }
0x6c: {  	v59 =	vtrunc.f32 v24;
	v58 =	vcvt.f32.s32 v55;
	v60 =	vshll.u32 v4, $0x4;
	[tilespmem:v17+s20+$0x0] =	vst.idx.add.f32.msk $0xffff, v2  }
0x6d: {  	v5 =	vcvt.s32.f32 v5;
	v10 =	vsub.f32 v10, v15;
	v13 =	vadd.s32 v1, v60;
	[tilespmem:v17+s21+$0x0] =	vst.idx.add.f32.msk $0xffff, v11  }
0x6e: {  	v62 =	vtrunc.f32 v26;
	v61 =	vshll.u32 v58, $0x4;
	v12 =	vcvt.f32.s32 v59;
	[tilespmem:v7+s22+$0x0] =	vst.idx.add.f32.msk $0xffff, v2  }
0x6f: {  	v4 =	vcvt.s32.f32 v4;
	v5 =	vsub.f32 v8, v5;
	v8 =	vadd.s32 v1, v61;
	[tilespmem:v7+s23+$0x0] =	vst.idx.add.f32.msk $0xffff, v10  }
0x70: {  	v63 =	vshll.u32 v12, $0x4;
	v7 =	vcvt.f32.s32 v62;
	[tilespmem:v57+s24+$0x0] =	vst.idx.add.f32.msk $0xffff, v2  }
0x71: {  	v9 =	vcvt.s32.f32 v58;
	v4 =	vsub.f32 v6, v4;
	v6 =	vadd.s32 v1, v63;
	[tilespmem:v57+s25+$0x0] =	vst.idx.add.f32.msk $0xffff, v5  }
0x72: {  	v5 =	vshll.u32 v7, $0x4;
	[tilespmem:v13+s14+$0x0] =	vst.idx.add.f32.msk $0xffff, v2  }
0x73: {  	v9 =	vsub.f32 v3, v9;
	v3 =	vadd.s32 v1, v5;
	v5 =	vcvt.s32.f32 v12;
	[tilespmem:v13+s15+$0x0] =	vst.idx.add.f32.msk $0xffff, v4  }
0x74: {  	[tilespmem:v8+s16+$0x0] =	vst.idx.add.f32.msk $0xffff, v2  }
0x75: {  	v4 =	vsub.f32 v24, v5;
	v5 =	vcvt.s32.f32 v7;
	[tilespmem:v8+s17+$0x0] =	vst.idx.add.f32.msk $0xffff, v9  }
0x76: {  	[tilespmem:v6+s18+$0x0] =	vst.idx.add.f32.msk $0xffff, v2  }
0x77: {  	v7 =	vsub.f32 v26, v5;
	[tilespmem:v6+s19+$0x0] =	vst.idx.add.f32.msk $0xffff, v4  }
0x78: {  	s0 =	simm.s32 $0x400;
	[tilespmem:v3+s20+$0x0] =	vst.idx.add.f32.msk $0xffff, v2  }
.LBB2_5:
0x79: {  	s1 =	sshra.s32 s0, $0x2;
	p0 =	sne.s32 s0, $0x1FC00;
	s0 =	sadd.s32 $0x400, s0;
	[tilespmem:v3+s21+$0x0] =	vst.idx.add.f32.msk $0xffff, v7  }
0x7a: {  	v9 =	vld [tilespmem:s1+$0x10]  }
0x7b: {  	v3 =	vld [tilespmem:s1+$0xD0]  }
0x7c: {  	v10 =	vld [tilespmem:s1+$0x0]  }
0x7d: {  	v4 =	vld [tilespmem:s1+$0xC0]  }
0x7e: {  	v11 =	vld [tilespmem:s1+$0x20]  }
0x7f: {  	v7 =	vld [tilespmem:s1+$0xB0];
	v5 =	vtrunc.f32 v9  }
0x80: {  	v12 =	vld [tilespmem:s1+$0x30];
	v8 =	vcvt.f32.s32 v5;
	v6 =	vtrunc.f32 v3  }
0x81: {  	v5 =	vld [tilespmem:s1+$0xA0];
	v13 =	vtrunc.f32 v10;
	v6 =	vcvt.f32.s32 v6  }
0x82: {  	v14 =	vld [tilespmem:s1+$0x40];
	v13 =	vcvt.f32.s32 v13;
	v15 =	vshll.u32 v8, $0x4;
	v16 =	vcvt.s32.f32 v8  }
0x83: {  	v19 =	vtrunc.f32 v4;
	v17 =	vld [tilespmem:s1+$0x90];
	v18 =	vtrunc.f32 v11;
	v8 =	vshll.u32 v6, $0x4  }
0x84: {  	v20 =	vld [tilespmem:s1+$0x50];
	v18 =	vcvt.f32.s32 v18;
	v21 =	vshll.u32 v13, $0x4;
	v16 =	vsub.f32 v9, v16  }
0x85: {  	v13 =	vcvt.s32.f32 v13;
	v22 =	vld [tilespmem:s1+$0x80];
	v9 =	vtrunc.f32 v12;
	v21 =	vadd.s32 v1, v21  }
0x86: {  	v23 =	vld [tilespmem:s1+$0x60];
	v24 =	vcvt.f32.s32 v9;
	v25 =	vshll.u32 v18, $0x4;
	v18 =	vcvt.s32.f32 v18  }
0x87: {  	v15 =	vadd.s32 v1, v15;
	v28 =	vtrunc.f32 v7;
	v26 =	vld [tilespmem:s1+$0x70];
	v27 =	vtrunc.f32 v14  }
0x88: {  	v9 =	vld [tilespmem:s1+$0xE0];
	v27 =	vcvt.f32.s32 v27;
	v29 =	vshll.u32 v24, $0x4;
	v11 =	vsub.f32 v11, v18  }
0x89: {  	v10 =	vsub.f32 v10, v13;
	v25 =	vadd.s32 v1, v25;
	v18 =	vld [tilespmem:s1+$0xF0];
	v30 =	vtrunc.f32 v20  }
0x8a: {  	v24 =	vcvt.s32.f32 v24;
	v13 =	vcvt.f32.s32 v30;
	v30 =	vshll.u32 v27, $0x4;
	[tilespmem:v21+s14+$0x0] =	vst.idx.add.f32.msk $0xffff, v2  }
0x8b: {  	v29 =	vadd.s32 v1, v29;
	v27 =	vcvt.s32.f32 v27;
	v31 =	vtrunc.f32 v23;
	[tilespmem:v21+s15+$0x0] =	vst.idx.add.f32.msk $0xffff, v10  }
0x8c: {  	v12 =	vsub.f32 v12, v24;
	v10 =	vcvt.f32.s32 v31;
	v21 =	vshll.u32 v13, $0x4;
	[tilespmem:v15+s16+$0x0] =	vst.idx.add.f32.msk $0xffff, v2  }
0x8d: {  	v30 =	vadd.s32 v1, v30;
	v24 =	vtrunc.f32 v26;
	v14 =	vsub.f32 v14, v27;
	[tilespmem:v15+s17+$0x0] =	vst.idx.add.f32.msk $0xffff, v16  }
0x8e: {  	v13 =	vcvt.s32.f32 v13;
	v15 =	vshll.u32 v10, $0x4;
	v10 =	vcvt.s32.f32 v10;
	[tilespmem:v25+s18+$0x0] =	vst.idx.add.f32.msk $0xffff, v2  }
0x8f: {  	v16 =	vcvt.f32.s32 v24;
	v24 =	vcvt.f32.s32 v28;
	v21 =	vadd.s32 v1, v21;
	[tilespmem:v25+s19+$0x0] =	vst.idx.add.f32.msk $0xffff, v11  }
0x90: {  	v13 =	vsub.f32 v20, v13;
	v11 =	vtrunc.f32 v22;
	v10 =	vsub.f32 v23, v10;
	[tilespmem:v29+s20+$0x0] =	vst.idx.add.f32.msk $0xffff, v2  }
0x91: {  	v15 =	vadd.s32 v1, v15;
	v20 =	vcvt.s32.f32 v16;
	v11 =	vcvt.f32.s32 v11;
	[tilespmem:v29+s21+$0x0] =	vst.idx.add.f32.msk $0xffff, v12  }
0x92: {  	v16 =	vshll.u32 v16, $0x4;
	v23 =	vtrunc.f32 v5;
	v12 =	vtrunc.f32 v17;
	[tilespmem:v30+s22+$0x0] =	vst.idx.add.f32.msk $0xffff, v2  }
0x93: {  	v16 =	vadd.s32 v1, v16;
	v25 =	vshll.u32 v11, $0x4;
	v11 =	vcvt.s32.f32 v11;
	[tilespmem:v30+s23+$0x0] =	vst.idx.add.f32.msk $0xffff, v14  }
0x94: {  	v20 =	vsub.f32 v26, v20;
	v12 =	vcvt.f32.s32 v12;
	v14 =	vcvt.f32.s32 v23;
	[tilespmem:v21+s24+$0x0] =	vst.idx.add.f32.msk $0xffff, v2  }
0x95: {  	v23 =	vtrunc.f32 v9;
	v25 =	vadd.s32 v1, v25;
	v11 =	vsub.f32 v22, v11;
	[tilespmem:v21+s25+$0x0] =	vst.idx.add.f32.msk $0xffff, v13  }
0x96: {  	v13 =	vshll.u32 v12, $0x4;
	v21 =	vshll.u32 v14, $0x4;
	v12 =	vcvt.s32.f32 v12;
	[tilespmem:v15+s14+$0x0] =	vst.idx.add.f32.msk $0xffff, v2  }
0x97: {  	v22 =	vcvt.f32.s32 v23;
	v23 =	vtrunc.f32 v18;
	v13 =	vadd.s32 v1, v13;
	[tilespmem:v15+s15+$0x0] =	vst.idx.add.f32.msk $0xffff, v10  }
0x98: {  	v10 =	vcvt.f32.s32 v23;
	v15 =	vshll.u32 v24, $0x4;
	v12 =	vsub.f32 v17, v12;
	[tilespmem:v16+s16+$0x0] =	vst.idx.add.f32.msk $0xffff, v2  }
0x99: {  	v17 =	vadd.s32 v1, v21;
	v21 =	vshll.u32 v22, $0x4;
	v23 =	vcvt.s32.f32 v24;
	[tilespmem:v16+s17+$0x0] =	vst.idx.add.f32.msk $0xffff, v20  }
0x9a: {  	v16 =	vcvt.f32.s32 v19;
	v19 =	vshll.u32 v10, $0x4;
	v10 =	vcvt.s32.f32 v10;
	[tilespmem:v25+s18+$0x0] =	vst.idx.add.f32.msk $0xffff, v2  }
0x9b: {  	v14 =	vcvt.s32.f32 v14;
	v15 =	vadd.s32 v1, v15;
	v20 =	vsub.f32 v7, v23;
	[tilespmem:v25+s19+$0x0] =	vst.idx.add.f32.msk $0xffff, v11  }
0x9c: {  	v11 =	vshll.u32 v16, $0x4;
	v16 =	vcvt.s32.f32 v16;
	v7 =	vsub.f32 v18, v10;
	[tilespmem:v13+s20+$0x0] =	vst.idx.add.f32.msk $0xffff, v2  }
0x9d: {  	v6 =	vcvt.s32.f32 v6;
	v5 =	vsub.f32 v5, v14;
	v10 =	vadd.s32 v1, v11;
	[tilespmem:v13+s21+$0x0] =	vst.idx.add.f32.msk $0xffff, v12  }
0x9e: {  	v4 =	vsub.f32 v4, v16;
	[tilespmem:v17+s22+$0x0] =	vst.idx.add.f32.msk $0xffff, v2  }
0x9f: {  	v8 =	vadd.s32 v1, v8;
	v6 =	vsub.f32 v3, v6;
	[tilespmem:v17+s23+$0x0] =	vst.idx.add.f32.msk $0xffff, v5  }
0xa0: {  	[tilespmem:v15+s24+$0x0] =	vst.idx.add.f32.msk $0xffff, v2  }
0xa1: {  	v5 =	vadd.s32 v1, v21;
	[tilespmem:v15+s25+$0x0] =	vst.idx.add.f32.msk $0xffff, v20  }
0xa2: {  	[tilespmem:v10+s14+$0x0] =	vst.idx.add.f32.msk $0xffff, v2  }
0xa3: {  	v3 =	vadd.s32 v1, v19;
	v11 =	vcvt.s32.f32 v22;
	[tilespmem:v10+s15+$0x0] =	vst.idx.add.f32.msk $0xffff, v4  }
.Ltmp1:
0xa4: {  	[tilespmem:v8+s16+$0x0] =	vst.idx.add.f32.msk $0xffff, v2;
	(pc) =	sbr.rel @p0 .LBB2_5-.Ltmp1, $4  }
0xa5: {  	v4 =	vsub.f32 v9, v11;
	[tilespmem:v8+s17+$0x0] =	vst.idx.add.f32.msk $0xffff, v6  }
0xa6: {  	[tilespmem:v5+s18+$0x0] =	vst.idx.add.f32.msk $0xffff, v2  }
0xa7: {  	[tilespmem:v5+s19+$0x0] =	vst.idx.add.f32.msk $0xffff, v4  }
0xa8: {  	[tilespmem:v3+s20+$0x0] =	vst.idx.add.f32.msk $0xffff, v2  }
0xa9: {  	_ = 	snop  }
0xaa: {  	s0 =	sshll.u32 s31, $0x13;
	p0 =	seq.s32 s31, $0xF  }
0xab: {  	s1 =	sadd.s32 @!p0 s0, s6  }
0xac: {  	s3 =	simm.s32 @!p0 $0x80;
	s1 =	sshrl.u32 @!p0 s1, $0x3  }
0xad: {  	[tilespmem:v3+s21+$0x0] =	vst.idx.add.f32.msk $0xffff, v7;
	s5 =	simm.s32 @!p0 $0x400;
	s8 =	simm.s32 @!p0 $0x0;
	s1 =	sadd.s32 @!p0 s2, s1  }
0xae: {  	[tilespmem:s8], [sflag:$0x1] =	stream.strided.gather @!p0 [hbm4b:s1+s3], $0x8000, s5, s3, $0x38;
	[tilespmem:$0x1C700] =	vst v63  }
0xaf: {  	_ =	swait.ge [sflag:s26], $0x8000  }
0xb0: {  	[sflag:s26] =	ssyncset.done $0x0  }
0xb1: {  	s8 =	simm.s32 $0x0;
	[sflag:s26] =	ssyncadd.s32 $0xFFFF8000  }
0xb2: {  	v4 =	vld [tilespmem:s8+$0x8010]  }
0xb3: {  	v3 =	vld [tilespmem:s8+$0x80D0]  }
0xb4: {  	v5 =	vld [tilespmem:s8+$0x8000]  }
0xb5: {  	v6 =	vld [tilespmem:s8+$0x80C0]  }
0xb6: {  	v7 =	vld [tilespmem:s8+$0x8020]  }
0xb7: {  	v8 =	vld [tilespmem:s8+$0x80B0]  }
0xb8: {  	v9 =	vld [tilespmem:s8+$0x8030]  }
0xb9: {  	v10 =	vld [tilespmem:s8+$0x80A0];
	v11 =	vtrunc.f32 v5  }
0xba: {  	v12 =	vld [tilespmem:s8+$0x8040];
	v11 =	vcvt.f32.s32 v11  }
0xbb: {  	v14 =	vld [tilespmem:s8+$0x8090];
	v13 =	vtrunc.f32 v4  }
0xbc: {  	v15 =	vld [tilespmem:s8+$0x8050];
	v13 =	vcvt.f32.s32 v13;
	v16 =	vshll.u32 v11, $0x4  }
0xbd: {  	v18 =	vld [tilespmem:s8+$0x8080];
	v17 =	vtrunc.f32 v7;
	v16 =	vadd.s32 v1, v16  }
0xbe: {  	v20 =	vld [tilespmem:s8+$0x8060];
	v17 =	vcvt.f32.s32 v17;
	v19 =	vshll.u32 v13, $0x4  }
0xbf: {  	v22 =	vld [tilespmem:s8+$0x8070];
	v21 =	vtrunc.f32 v9;
	v11 =	vcvt.s32.f32 v11;
	v19 =	vadd.s32 v1, v19  }
0xc0: {  	v24 =	vld [tilespmem:s8+$0x80E0];
	v25 =	vtrunc.f32 v12;
	v21 =	vcvt.f32.s32 v21;
	v23 =	vshll.u32 v17, $0x4  }
0xc1: {  	v26 =	vld [tilespmem:s8+$0x80F0];
	v13 =	vcvt.s32.f32 v13;
	v23 =	vadd.s32 v1, v23;
	v5 =	vsub.f32 v5, v11  }
0xc2: {  	v38 =	vcvt.f32.s32 v25;
	v37 =	vcvt.s32.f32 v17;
	v39 =	vshll.u32 v21, $0x4;
	[tilespmem:v16+s14+$0x0] =	vst.idx.add.f32.msk $0xffff, v2  }
0xc3: {  	v40 =	vtrunc.f32 v15;
	v25 =	vadd.s32 v1, v39;
	v4 =	vsub.f32 v4, v13;
	[tilespmem:v16+s15+$0x0] =	vst.idx.add.f32.msk $0xffff, v5  }
0xc4: {  	v41 =	vshll.u32 v38, $0x4;
	v5 =	vsub.f32 v7, v37;
	v7 =	vcvt.f32.s32 v40;
	[tilespmem:v19+s16+$0x0] =	vst.idx.add.f32.msk $0xffff, v2  }
0xc5: {  	v43 =	vtrunc.f32 v20;
	v42 =	vcvt.s32.f32 v21;
	v11 =	vadd.s32 v1, v41;
	[tilespmem:v19+s17+$0x0] =	vst.idx.add.f32.msk $0xffff, v4  }
0xc6: {  	v45 =	vtrunc.f32 v22;
	v16 =	vcvt.f32.s32 v43;
	v44 =	vshll.u32 v7, $0x4;
	[tilespmem:v23+s18+$0x0] =	vst.idx.add.f32.msk $0xffff, v2  }
0xc7: {  	v9 =	vsub.f32 v9, v42;
	v4 =	vcvt.s32.f32 v38;
	v17 =	vadd.s32 v1, v44;
	[tilespmem:v23+s19+$0x0] =	vst.idx.add.f32.msk $0xffff, v5  }
0xc8: {  	v47 =	vtrunc.f32 v18;
	v46 =	vcvt.f32.s32 v45;
	v5 =	vshll.u32 v16, $0x4;
	[tilespmem:v25+s20+$0x0] =	vst.idx.add.f32.msk $0xffff, v2  }
0xc9: {  	v7 =	vcvt.s32.f32 v7;
	v4 =	vsub.f32 v12, v4;
	v5 =	vadd.s32 v1, v5;
	[tilespmem:v25+s21+$0x0] =	vst.idx.add.f32.msk $0xffff, v9  }
0xca: {  	v50 =	vtrunc.f32 v14;
	v49 =	vshll.u32 v46, $0x4;
	v13 =	vcvt.f32.s32 v47;
	[tilespmem:v11+s22+$0x0] =	vst.idx.add.f32.msk $0xffff, v2  }
0xcb: {  	v48 =	vcvt.s32.f32 v16;
	v7 =	vsub.f32 v15, v7;
	v16 =	vadd.s32 v1, v49;
	[tilespmem:v11+s23+$0x0] =	vst.idx.add.f32.msk $0xffff, v4  }
0xcc: {  	v53 =	vtrunc.f32 v10;
	v52 =	vcvt.f32.s32 v50;
	v51 =	vshll.u32 v13, $0x4;
	[tilespmem:v17+s24+$0x0] =	vst.idx.add.f32.msk $0xffff, v2  }
0xcd: {  	v12 =	vcvt.s32.f32 v46;
	v9 =	vadd.s32 v1, v51;
	v4 =	vsub.f32 v20, v48;
	[tilespmem:v17+s25+$0x0] =	vst.idx.add.f32.msk $0xffff, v7  }
0xce: {  	v54 =	vshll.u32 v52, $0x4;
	v13 =	vcvt.s32.f32 v13;
	v15 =	vcvt.f32.s32 v53;
	[tilespmem:v5+s14+$0x0] =	vst.idx.add.f32.msk $0xffff, v2  }
0xcf: {  	v12 =	vsub.f32 v22, v12;
	v7 =	vtrunc.f32 v8;
	v17 =	vadd.s32 v1, v54;
	[tilespmem:v5+s15+$0x0] =	vst.idx.add.f32.msk $0xffff, v4  }
0xd0: {  	v13 =	vsub.f32 v18, v13;
	v5 =	vcvt.f32.s32 v7;
	v7 =	vshll.u32 v15, $0x4;
	[tilespmem:v16+s16+$0x0] =	vst.idx.add.f32.msk $0xffff, v2  }
0xd1: {  	v11 =	vcvt.s32.f32 v52;
	v4 =	vtrunc.f32 v6;
	v7 =	vadd.s32 v1, v7;
	[tilespmem:v16+s17+$0x0] =	vst.idx.add.f32.msk $0xffff, v12  }
0xd2: {  	v55 =	vtrunc.f32 v3;
	v4 =	vcvt.f32.s32 v4;
	v56 =	vshll.u32 v5, $0x4;
	[tilespmem:v9+s18+$0x0] =	vst.idx.add.f32.msk $0xffff, v2  }
0xd3: {  	v11 =	vsub.f32 v14, v11;
	v15 =	vcvt.s32.f32 v15;
	v57 =	vadd.s32 v1, v56;
	[tilespmem:v9+s19+$0x0] =	vst.idx.add.f32.msk $0xffff, v13  }
0xd4: {  	v59 =	vtrunc.f32 v24;
	v58 =	vcvt.f32.s32 v55;
	v60 =	vshll.u32 v4, $0x4;
	[tilespmem:v17+s20+$0x0] =	vst.idx.add.f32.msk $0xffff, v2  }
0xd5: {  	v5 =	vcvt.s32.f32 v5;
	v10 =	vsub.f32 v10, v15;
	v13 =	vadd.s32 v1, v60;
	[tilespmem:v17+s21+$0x0] =	vst.idx.add.f32.msk $0xffff, v11  }
0xd6: {  	v62 =	vtrunc.f32 v26;
	v61 =	vshll.u32 v58, $0x4;
	v12 =	vcvt.f32.s32 v59;
	[tilespmem:v7+s22+$0x0] =	vst.idx.add.f32.msk $0xffff, v2  }
0xd7: {  	v4 =	vcvt.s32.f32 v4;
	v5 =	vsub.f32 v8, v5;
	v8 =	vadd.s32 v1, v61;
	[tilespmem:v7+s23+$0x0] =	vst.idx.add.f32.msk $0xffff, v10  }
0xd8: {  	v63 =	vshll.u32 v12, $0x4;
	v7 =	vcvt.f32.s32 v62;
	[tilespmem:v57+s24+$0x0] =	vst.idx.add.f32.msk $0xffff, v2  }
0xd9: {  	v9 =	vcvt.s32.f32 v58;
	v4 =	vsub.f32 v6, v4;
	v6 =	vadd.s32 v1, v63;
	[tilespmem:v57+s25+$0x0] =	vst.idx.add.f32.msk $0xffff, v5  }
0xda: {  	v5 =	vshll.u32 v7, $0x4;
	[tilespmem:v13+s14+$0x0] =	vst.idx.add.f32.msk $0xffff, v2  }
0xdb: {  	v9 =	vsub.f32 v3, v9;
	v3 =	vadd.s32 v1, v5;
	v5 =	vcvt.s32.f32 v12;
	[tilespmem:v13+s15+$0x0] =	vst.idx.add.f32.msk $0xffff, v4  }
0xdc: {  	[tilespmem:v8+s16+$0x0] =	vst.idx.add.f32.msk $0xffff, v2  }
0xdd: {  	v4 =	vsub.f32 v24, v5;
	v5 =	vcvt.s32.f32 v7;
	[tilespmem:v8+s17+$0x0] =	vst.idx.add.f32.msk $0xffff, v9  }
0xde: {  	[tilespmem:v6+s18+$0x0] =	vst.idx.add.f32.msk $0xffff, v2  }
0xdf: {  	v7 =	vsub.f32 v26, v5;
	[tilespmem:v6+s19+$0x0] =	vst.idx.add.f32.msk $0xffff, v4  }
0xe0: {  	s1 =	simm.s32 $0x400;
	[tilespmem:v3+s20+$0x0] =	vst.idx.add.f32.msk $0xffff, v2  }
.LBB2_7:
0xe1: {  	s3 =	sshra.s32 s1, $0x2;
	p1 =	sne.s32 s1, $0x1FC00;
	s1 =	sadd.s32 $0x400, s1;
	[tilespmem:v3+s21+$0x0] =	vst.idx.add.f32.msk $0xffff, v7  }
0xe2: {  	v9 =	vld [tilespmem:s3+$0x8010]  }
0xe3: {  	v3 =	vld [tilespmem:s3+$0x80D0]  }
0xe4: {  	v10 =	vld [tilespmem:s3+$0x8000]  }
0xe5: {  	v4 =	vld [tilespmem:s3+$0x80C0]  }
0xe6: {  	v11 =	vld [tilespmem:s3+$0x8020]  }
0xe7: {  	v7 =	vld [tilespmem:s3+$0x80B0];
	v5 =	vtrunc.f32 v9  }
0xe8: {  	v12 =	vld [tilespmem:s3+$0x8030];
	v8 =	vcvt.f32.s32 v5;
	v6 =	vtrunc.f32 v3  }
0xe9: {  	v5 =	vld [tilespmem:s3+$0x80A0];
	v13 =	vtrunc.f32 v10;
	v6 =	vcvt.f32.s32 v6  }
0xea: {  	v14 =	vld [tilespmem:s3+$0x8040];
	v13 =	vcvt.f32.s32 v13;
	v15 =	vshll.u32 v8, $0x4;
	v16 =	vcvt.s32.f32 v8  }
0xeb: {  	v19 =	vtrunc.f32 v4;
	v17 =	vld [tilespmem:s3+$0x8090];
	v18 =	vtrunc.f32 v11;
	v8 =	vshll.u32 v6, $0x4  }
0xec: {  	v20 =	vld [tilespmem:s3+$0x8050];
	v18 =	vcvt.f32.s32 v18;
	v21 =	vshll.u32 v13, $0x4;
	v16 =	vsub.f32 v9, v16  }
0xed: {  	v13 =	vcvt.s32.f32 v13;
	v22 =	vld [tilespmem:s3+$0x8080];
	v9 =	vtrunc.f32 v12;
	v21 =	vadd.s32 v1, v21  }
0xee: {  	v23 =	vld [tilespmem:s3+$0x8060];
	v24 =	vcvt.f32.s32 v9;
	v25 =	vshll.u32 v18, $0x4;
	v18 =	vcvt.s32.f32 v18  }
0xef: {  	v15 =	vadd.s32 v1, v15;
	v28 =	vtrunc.f32 v7;
	v26 =	vld [tilespmem:s3+$0x8070];
	v27 =	vtrunc.f32 v14  }
0xf0: {  	v9 =	vld [tilespmem:s3+$0x80E0];
	v27 =	vcvt.f32.s32 v27;
	v29 =	vshll.u32 v24, $0x4;
	v11 =	vsub.f32 v11, v18  }
0xf1: {  	v10 =	vsub.f32 v10, v13;
	v25 =	vadd.s32 v1, v25;
	v18 =	vld [tilespmem:s3+$0x80F0];
	v30 =	vtrunc.f32 v20  }
0xf2: {  	v24 =	vcvt.s32.f32 v24;
	v13 =	vcvt.f32.s32 v30;
	v30 =	vshll.u32 v27, $0x4;
	[tilespmem:v21+s14+$0x0] =	vst.idx.add.f32.msk $0xffff, v2  }
0xf3: {  	v29 =	vadd.s32 v1, v29;
	v27 =	vcvt.s32.f32 v27;
	v31 =	vtrunc.f32 v23;
	[tilespmem:v21+s15+$0x0] =	vst.idx.add.f32.msk $0xffff, v10  }
0xf4: {  	v12 =	vsub.f32 v12, v24;
	v10 =	vcvt.f32.s32 v31;
	v21 =	vshll.u32 v13, $0x4;
	[tilespmem:v15+s16+$0x0] =	vst.idx.add.f32.msk $0xffff, v2  }
0xf5: {  	v30 =	vadd.s32 v1, v30;
	v24 =	vtrunc.f32 v26;
	v14 =	vsub.f32 v14, v27;
	[tilespmem:v15+s17+$0x0] =	vst.idx.add.f32.msk $0xffff, v16  }
0xf6: {  	v13 =	vcvt.s32.f32 v13;
	v15 =	vshll.u32 v10, $0x4;
	v10 =	vcvt.s32.f32 v10;
	[tilespmem:v25+s18+$0x0] =	vst.idx.add.f32.msk $0xffff, v2  }
0xf7: {  	v16 =	vcvt.f32.s32 v24;
	v24 =	vcvt.f32.s32 v28;
	v21 =	vadd.s32 v1, v21;
	[tilespmem:v25+s19+$0x0] =	vst.idx.add.f32.msk $0xffff, v11  }
0xf8: {  	v13 =	vsub.f32 v20, v13;
	v11 =	vtrunc.f32 v22;
	v10 =	vsub.f32 v23, v10;
	[tilespmem:v29+s20+$0x0] =	vst.idx.add.f32.msk $0xffff, v2  }
0xf9: {  	v15 =	vadd.s32 v1, v15;
	v20 =	vcvt.s32.f32 v16;
	v11 =	vcvt.f32.s32 v11;
	[tilespmem:v29+s21+$0x0] =	vst.idx.add.f32.msk $0xffff, v12  }
0xfa: {  	v16 =	vshll.u32 v16, $0x4;
	v23 =	vtrunc.f32 v5;
	v12 =	vtrunc.f32 v17;
	[tilespmem:v30+s22+$0x0] =	vst.idx.add.f32.msk $0xffff, v2  }
0xfb: {  	v16 =	vadd.s32 v1, v16;
	v25 =	vshll.u32 v11, $0x4;
	v11 =	vcvt.s32.f32 v11;
	[tilespmem:v30+s23+$0x0] =	vst.idx.add.f32.msk $0xffff, v14  }
0xfc: {  	v20 =	vsub.f32 v26, v20;
	v12 =	vcvt.f32.s32 v12;
	v14 =	vcvt.f32.s32 v23;
	[tilespmem:v21+s24+$0x0] =	vst.idx.add.f32.msk $0xffff, v2  }
0xfd: {  	v23 =	vtrunc.f32 v9;
	v25 =	vadd.s32 v1, v25;
	v11 =	vsub.f32 v22, v11;
	[tilespmem:v21+s25+$0x0] =	vst.idx.add.f32.msk $0xffff, v13  }
0xfe: {  	v13 =	vshll.u32 v12, $0x4;
	v21 =	vshll.u32 v14, $0x4;
	v12 =	vcvt.s32.f32 v12;
	[tilespmem:v15+s14+$0x0] =	vst.idx.add.f32.msk $0xffff, v2  }
0xff: {  	v22 =	vcvt.f32.s32 v23;
	v23 =	vtrunc.f32 v18;
	v13 =	vadd.s32 v1, v13;
	[tilespmem:v15+s15+$0x0] =	vst.idx.add.f32.msk $0xffff, v10  }
0x100: {  	v10 =	vcvt.f32.s32 v23;
	v15 =	vshll.u32 v24, $0x4;
	v12 =	vsub.f32 v17, v12;
	[tilespmem:v16+s16+$0x0] =	vst.idx.add.f32.msk $0xffff, v2  }
0x101: {  	v17 =	vadd.s32 v1, v21;
	v21 =	vshll.u32 v22, $0x4;
	v23 =	vcvt.s32.f32 v24;
	[tilespmem:v16+s17+$0x0] =	vst.idx.add.f32.msk $0xffff, v20  }
0x102: {  	v16 =	vcvt.f32.s32 v19;
	v19 =	vshll.u32 v10, $0x4;
	v10 =	vcvt.s32.f32 v10;
	[tilespmem:v25+s18+$0x0] =	vst.idx.add.f32.msk $0xffff, v2  }
0x103: {  	v14 =	vcvt.s32.f32 v14;
	v15 =	vadd.s32 v1, v15;
	v20 =	vsub.f32 v7, v23;
	[tilespmem:v25+s19+$0x0] =	vst.idx.add.f32.msk $0xffff, v11  }
0x104: {  	v11 =	vshll.u32 v16, $0x4;
	v16 =	vcvt.s32.f32 v16;
	v7 =	vsub.f32 v18, v10;
	[tilespmem:v13+s20+$0x0] =	vst.idx.add.f32.msk $0xffff, v2  }
0x105: {  	v6 =	vcvt.s32.f32 v6;
	v5 =	vsub.f32 v5, v14;
	v10 =	vadd.s32 v1, v11;
	[tilespmem:v13+s21+$0x0] =	vst.idx.add.f32.msk $0xffff, v12  }
0x106: {  	v4 =	vsub.f32 v4, v16;
	[tilespmem:v17+s22+$0x0] =	vst.idx.add.f32.msk $0xffff, v2  }
0x107: {  	v8 =	vadd.s32 v1, v8;
	v6 =	vsub.f32 v3, v6;
	[tilespmem:v17+s23+$0x0] =	vst.idx.add.f32.msk $0xffff, v5  }
0x108: {  	[tilespmem:v15+s24+$0x0] =	vst.idx.add.f32.msk $0xffff, v2  }
0x109: {  	v5 =	vadd.s32 v1, v21;
	[tilespmem:v15+s25+$0x0] =	vst.idx.add.f32.msk $0xffff, v20  }
0x10a: {  	[tilespmem:v10+s14+$0x0] =	vst.idx.add.f32.msk $0xffff, v2  }
0x10b: {  	v3 =	vadd.s32 v1, v19;
	v11 =	vcvt.s32.f32 v22;
	[tilespmem:v10+s15+$0x0] =	vst.idx.add.f32.msk $0xffff, v4  }
.Ltmp2:
0x10c: {  	[tilespmem:v8+s16+$0x0] =	vst.idx.add.f32.msk $0xffff, v2;
	(pc) =	sbr.rel @p1 .LBB2_7-.Ltmp2, $4  }
0x10d: {  	v4 =	vsub.f32 v9, v11;
	[tilespmem:v8+s17+$0x0] =	vst.idx.add.f32.msk $0xffff, v6  }
0x10e: {  	[tilespmem:v5+s18+$0x0] =	vst.idx.add.f32.msk $0xffff, v2  }
0x10f: {  	[tilespmem:v5+s19+$0x0] =	vst.idx.add.f32.msk $0xffff, v4  }
0x110: {  	[tilespmem:v3+s20+$0x0] =	vst.idx.add.f32.msk $0xffff, v2  }
.Ltmp3:
0x111: {  	_ = 	snop;
	(pc) =	sbr.rel @p0 .LBB2_9-.Ltmp3, $2  }
0x112: {  	_ =	sdelay $0x2  }
0x113: {  	[tilespmem:v3+s21+$0x0] =	vst.idx.add.f32.msk $0xffff, v7  }
.Ltmp4:
0x114: {  	(pc) =	sbr.rel .LBB2_4-.Ltmp4, $4  }
0x115: {  	s0 =	sadd.s32 s0, s7  }
0x116: {  	s0 =	sshrl.u32 s0, $0x3  }
0x117: {  	s31 =	sadd.s32 $0x1, s31;
	s0 =	sadd.s32 s2, s0  }
0x118: {  	[tilespmem:s12], [sflag:$0x2] =	stream.strided.gather [hbm4b:s0+s10], $0x8000, s11, s10, $0x38;
	[tilespmem:$0x1C700] =	vst v63  }
.LBB2_9:
0x119: {  	s1 =	simm.s32 $0x0  }
0x11a: {  	v3 =	vld [tilespmem:s1+$0x15290]  }
0x11b: {  	v5 =	vld [tilespmem:s1+$0x14210]  }
0x11c: {  	v6 =	vld [tilespmem:s1+$0x1A520]  }
0x11d: {  	v7 =	vld [tilespmem:s1+$0x13190]  }
0x11e: {  	v8 =	vld [tilespmem:s1+$0x194A0]  }
0x11f: {  	v9 =	vld [tilespmem:s1+$0x12110]  }
0x120: {  	v10 =	vld [tilespmem:s1+$0x18420]  }
0x121: {  	v11 =	vld [tilespmem:s1+$0x11090]  }
0x122: {  	v12 =	vld [tilespmem:s1+$0x173A0]  }
0x123: {  	v13 =	vld [tilespmem:s1+$0x10010]  }
0x124: {  	v14 =	vld [tilespmem:s1+$0x16310]  }
0x125: {  	v15 =	vld [tilespmem:s1+$0x16320]  }
0x126: {  	v16 =	vld [tilespmem:s1+$0x17390]  }
0x127: {  	v17 =	vld [tilespmem:s1+$0x10020]  }
0x128: {  	v18 =	vld [tilespmem:s1+$0x18410]  }
0x129: {  	v19 =	vld [tilespmem:s1+$0x110A0]  }
0x12a: {  	v20 =	vld [tilespmem:s1+$0x19490]  }
0x12b: {  	v21 =	vld [tilespmem:s1+$0x12120];
	v13 =	vadd.f32 $0.0e+00, v13;
	v14 =	vadd.f32 $0.0e+00, v14  }
0x12c: {  	v22 =	vld [tilespmem:s1+$0x1A510];
	v17 =	vadd.f32 $0.0e+00, v17;
	v15 =	vadd.f32 $0.0e+00, v15  }
0x12d: {  	v11 =	vadd.f32 v11, v13;
	v13 =	vadd.f32 v16, v14;
	v14 =	vld [tilespmem:s1+$0x131A0]  }
0x12e: {  	v16 =	vadd.f32 v19, v17;
	v12 =	vadd.f32 v12, v15;
	v15 =	vld [tilespmem:s1+$0x1B590]  }
0x12f: {  	v9 =	vadd.f32 v9, v11;
	v11 =	vadd.f32 v18, v13;
	v13 =	vld [tilespmem:s1+$0x14220]  }
0x130: {  	v16 =	vadd.f32 v21, v16;
	v10 =	vadd.f32 v10, v12;
	v12 =	vld [tilespmem:s1+$0x1B5A0]  }
0x131: {  	v7 =	vadd.f32 v7, v9;
	v9 =	vadd.f32 v20, v11;
	v11 =	vld [tilespmem:s1+$0x152A0]  }
0x132: {  	v8 =	vadd.f32 v8, v10;
	v14 =	vadd.f32 v14, v16  }
0x133: {  	v5 =	vadd.f32 v5, v7;
	v7 =	vadd.f32 v22, v9  }
0x134: {  	v6 =	vadd.f32 v6, v8;
	v9 =	vadd.f32 v13, v14  }
0x135: {  	v5 =	vadd.f32 v3, v5;
	v7 =	vadd.f32 v15, v7  }
0x136: {  	v3 =	vadd.f32 v12, v6;
	v8 =	vadd.f32 v11, v9  }
0x137: {  	v5 =	vsub.f32 v5, v7  }
0x138: {  	v4 =	vimm.f32 $0.0e+00;
	v6 =	vsub.f32 v8, v3  }
0x139: {  	v4 =	vadd.f32 v5, v4  }
0x13a: {  	v5 =	vadd.f32 v6, v7  }
0x13b: {  	(xrf2) =	vadd.scan.msk.f32 $0xffff, v4  }
0x13c: {  	(xrf2) =	vadd.scan.msk.f32 $0xffff, v5;
	_ =	sdelay $0x2  }
0x13d: {  	s0 =	simm.s32 $0x0  }
0x13e: {  	v4 =	vmov s0  }
0x13f: {  	v4 =	vand.u32 $0xFFFFFFFE, v4  }
0x140: {  	v4 =	vbroadcast v4, $0x0  }
0x141: {  	s8 =	simm.s32 $0x1  }
0x142: {  	v5 =	vmov s8  }
0x143: {  	v6, _, _ =	vpop (xrf2)  }
0x144: {  	v6 =	vbroadcast v6, $0xF;
	v7, _, _ =	vpop (xrf2)  }
0x145: {  	v7 =	vbroadcast v7, $0xF  }
0x146: {  	[tilespmem:v4+s28+$0x0] =	vst.idx.msk $0x1, v6  }
0x147: {  	s31 =	simm.s32 $0x20;
	[tilespmem:v5+s28+$0x0] =	vst.idx.msk $0x1, v7  }
0x148: {  	v4 =	vld [tilespmem:s31+$0x15290]  }
0x149: {  	v6 =	vld [tilespmem:s31+$0x14210]  }
0x14a: {  	v5 =	vld [tilespmem:s31+$0x1A520]  }
0x14b: {  	v8 =	vld [tilespmem:s31+$0x13190]  }
0x14c: {  	v7 =	vld [tilespmem:s31+$0x194A0]  }
0x14d: {  	v10 =	vld [tilespmem:s31+$0x12110]  }
0x14e: {  	v9 =	vld [tilespmem:s31+$0x18420]  }
0x14f: {  	v12 =	vld [tilespmem:s31+$0x11090]  }
0x150: {  	v11 =	vld [tilespmem:s31+$0x173A0]  }
0x151: {  	v15 =	vld [tilespmem:s31+$0x10010]  }
0x152: {  	v16 =	vld [tilespmem:s31+$0x16310]  }
0x153: {  	v13 =	vld [tilespmem:s31+$0x16320]  }
0x154: {  	s1 =	simm.s32 $0x100;
	v14 =	vld [tilespmem:s31+$0x17390]  }
.LBB2_10:
0x155: {  	p0 =	sne.s32 s1, $0x3F80;
	v17 =	vld [tilespmem:s31+$0x10020]  }
0x156: {  	v18 =	vld [tilespmem:s31+$0x18410]  }
0x157: {  	v15 =	vadd.f32 $0.0e+00, v15;
	v16 =	vadd.f32 $0.0e+00, v16;
	v19 =	vld [tilespmem:s31+$0x110A0]  }
0x158: {  	v20 =	vld [tilespmem:s31+$0x19490]  }
0x159: {  	v12 =	vadd.f32 v12, v15;
	v14 =	vadd.f32 v14, v16;
	v15 =	vld [tilespmem:s31+$0x12120]  }
0x15a: {  	v13 =	vadd.f32 $0.0e+00, v13;
	v16 =	vld [tilespmem:s31+$0x1A510];
	v17 =	vadd.f32 $0.0e+00, v17  }
0x15b: {  	v10 =	vadd.f32 v10, v12;
	v12 =	vadd.f32 v18, v14;
	v14 =	vld [tilespmem:s31+$0x131A0]  }
0x15c: {  	v11 =	vadd.f32 v11, v13;
	v18 =	vld [tilespmem:s31+$0x1B590];
	v17 =	vadd.f32 v19, v17  }
0x15d: {  	v8 =	vadd.f32 v8, v10;
	v10 =	vadd.f32 v20, v12;
	v12 =	vld [tilespmem:s31+$0x14220]  }
0x15e: {  	v9 =	vadd.f32 v9, v11;
	v13 =	vadd.f32 v15, v17;
	v11 =	vld [tilespmem:s31+$0x1B5A0]  }
0x15f: {  	v6 =	vadd.f32 v6, v8;
	v8 =	vadd.f32 v16, v10;
	v10 =	vld [tilespmem:s31+$0x152A0]  }
0x160: {  	v7 =	vadd.f32 v7, v9;
	v13 =	vadd.f32 v14, v13  }
0x161: {  	v4 =	vadd.f32 v4, v6;
	v6 =	vadd.f32 v18, v8  }
0x162: {  	v5 =	vadd.f32 v5, v7;
	v8 =	vadd.f32 v12, v13  }
0x163: {  	v4 =	vsub.f32 v4, v6  }
0x164: {  	v5 =	vadd.f32 v11, v5;
	v7 =	vadd.f32 v10, v8  }
0x165: {  	v4 =	vadd.f32 v4, v3  }
0x166: {  	v3 =	vmov v5;
	v7 =	vsub.f32 v7, v5  }
0x167: {  	(xrf2) =	vadd.scan.msk.f32 $0xffff, v4  }
0x168: {  	v4 =	vadd.f32 v7, v6;
	_ =	sdelay $0x1  }
0x169: {  	(xrf2) =	vadd.scan.msk.f32 $0xffff, v4;
	_ =	sdelay $0x2  }
0x16a: {  	s0 =	sadd.s32 $0x2, s0  }
0x16b: {  	v4 =	vmov s0  }
0x16c: {  	v4 =	vand.u32 $0xFFFFFFFE, v4  }
0x16d: {  	v4 =	vbroadcast v4, $0x0  }
0x16e: {  	s3 =	sadd.s32 $0x1, s0;
	v5, _, _ =	vpop (xrf2)  }
0x16f: {  	v6 =	vmov s3;
	_ =	sdelay $0x1  }
0x170: {  	v5 =	vbroadcast v5, $0xF;
	v7, _, _ =	vpop (xrf2)  }
0x171: {  	v7 =	vbroadcast v7, $0xF  }
0x172: {  	[tilespmem:v4+s28+$0x0] =	vst.idx.msk $0x1, v5  }
0x173: {  	s31 =	sshra.s32 s1, $0x2;
	[tilespmem:v6+s28+$0x0] =	vst.idx.msk $0x1, v7  }
0x174: {  	v4 =	vld [tilespmem:s31+$0x15290]  }
0x175: {  	v6 =	vld [tilespmem:s31+$0x14210]  }
0x176: {  	v5 =	vld [tilespmem:s31+$0x1A520]  }
0x177: {  	v8 =	vld [tilespmem:s31+$0x13190]  }
0x178: {  	v7 =	vld [tilespmem:s31+$0x194A0]  }
0x179: {  	v10 =	vld [tilespmem:s31+$0x12110]  }
0x17a: {  	v9 =	vld [tilespmem:s31+$0x18420]  }
0x17b: {  	v12 =	vld [tilespmem:s31+$0x11090]  }
.Ltmp5:
0x17c: {  	v11 =	vld [tilespmem:s31+$0x173A0];
	(pc) =	sbr.rel @p0 .LBB2_10-.Ltmp5, $4  }
0x17d: {  	v15 =	vld [tilespmem:s31+$0x10010]  }
0x17e: {  	v16 =	vld [tilespmem:s31+$0x16310]  }
0x17f: {  	v13 =	vld [tilespmem:s31+$0x16320]  }
0x180: {  	s1 =	sadd.s32 $0x80, s1;
	v14 =	vld [tilespmem:s31+$0x17390]  }
0x181: {  	v17 =	vld [tilespmem:s31+$0x10020]  }
0x182: {  	v18 =	vld [tilespmem:s31+$0x18410]  }
0x183: {  	v19 =	vld [tilespmem:s31+$0x110A0]  }
0x184: {  	v20 =	vld [tilespmem:s31+$0x19490]  }
0x185: {  	v21 =	vld [tilespmem:s31+$0x12120];
	v15 =	vadd.f32 $0.0e+00, v15;
	v16 =	vadd.f32 $0.0e+00, v16  }
0x186: {  	v22 =	vld [tilespmem:s31+$0x1A510];
	v13 =	vadd.f32 $0.0e+00, v13;
	v17 =	vadd.f32 $0.0e+00, v17  }
0x187: {  	v48 =	vld [tilespmem:s31+$0x131A0];
	v12 =	vadd.f32 v12, v15;
	v14 =	vadd.f32 v14, v16  }
0x188: {  	v50 =	vld [tilespmem:s31+$0x1B590];
	v11 =	vadd.f32 v11, v13;
	v49 =	vadd.f32 v19, v17  }
0x189: {  	v52 =	vld [tilespmem:s31+$0x14220];
	v10 =	vadd.f32 v10, v12;
	v51 =	vadd.f32 v18, v14  }
0x18a: {  	v53 =	vld [tilespmem:s31+$0x1B5A0];
	v9 =	vadd.f32 v9, v11;
	v16 =	vadd.f32 v21, v49  }
0x18b: {  	v55 =	vld [tilespmem:s31+$0x152A0];
	v8 =	vadd.f32 v8, v10;
	v54 =	vadd.f32 v20, v51  }
0x18c: {  	v7 =	vadd.f32 v7, v9;
	v15 =	vadd.f32 v48, v16  }
0x18d: {  	v6 =	vadd.f32 v6, v8;
	v56 =	vadd.f32 v22, v54  }
0x18e: {  	v5 =	vadd.f32 v5, v7;
	v57 =	vadd.f32 v52, v15  }
0x18f: {  	v4 =	vadd.f32 v4, v6;
	v58 =	vadd.f32 v50, v56  }
0x190: {  	v5 =	vadd.f32 v53, v5;
	v59 =	vadd.f32 v55, v57  }
0x191: {  	v4 =	vsub.f32 v4, v58  }
0x192: {  	v5 =	vsub.f32 v59, v5  }
0x193: {  	v3 =	vadd.f32 v4, v3  }
0x194: {  	v60 =	vadd.f32 v5, v58  }
0x195: {  	(xrf2) =	vadd.scan.msk.f32 $0xffff, v3  }
0x196: {  	(xrf2) =	vadd.scan.msk.f32 $0xffff, v60;
	_ =	sdelay $0x2  }
0x197: {  	s0 =	sadd.s32 $0x2, s0  }
0x198: {  	v3 =	vmov s0  }
0x199: {  	v3 =	vand.u32 $0xFFFFFFFE, v3  }
0x19a: {  	v3 =	vbroadcast v3, $0x0  }
0x19b: {  	s0 =	sadd.s32 $0x1, s0  }
0x19c: {  	v61 =	vmov s0  }
0x19d: {  	v62, _, _ =	vpop (xrf2)  }
0x19e: {  	v5 =	vbroadcast v62, $0xF;
	v63, _, _ =	vpop (xrf2)  }
0x19f: {  	s30 =	sadd.s32 $0x1, s30;
	v6 =	vbroadcast v63, $0xF  }
0x1a0: {  	p0 =	sne.s32 s30, s9;
	[tilespmem:v3+s28+$0x0] =	vst.idx.msk $0x1, v5  }
.Ltmp6:
0x1a1: {  	s31 =	rddreg [dreg:$0x4];
	[tilespmem:v61+s28+$0x0] =	vst.idx.msk $0x1, v6;
	(pc) =	sbr.rel @p0 .LBB2_1-.Ltmp6, $4  }
0x1a2: {  	[hbm4b:s31+s10] =	stream.strided.scatter [tilespmem:s28], [sflag:$0x3], $0x100, s11, s10, $0x38;
	[tilespmem:$0x1C700] =	vst v63  }
0x1a3: {  	_ =	swait.ge [sflag:s29], $0x100  }
0x1a4: {  	[sflag:s29] =	ssyncset.done $0x0  }
0x1a5: {  	[sflag:s29] =	ssyncadd.s32 $0xFFFFFF00  }
0x1a6: {  	_ =	sfence.sel $0x180000  }
0x1a7: {  	[bflag:$0x0] =	sbarrier.arrive $0xFFFF  }
0x1a8: {  	_ =	strace $0x90000047  }
0x1a9: {  	s0 =	stileid.u32;
	[bflag:$0x2] =	sbarrier.arrive $0xFFFF  }
0x1aa: {  	p0 =	sne.s32 s0, $0x0;
	s0 =	rddreg [dreg:$0x2]  }
0x1ab: {  	s0 =	sadd.s32 @!p0 $0x100000, s0  }
0x1ac: {  	[sflag:s0] =	ssyncadd.tile.s32 @!p0 $0x1;
	_ =	shalt  }
.Lfunc_end2:
_tile_overlayer_lowered:
.L_overlay_start_2:
0x1ad: {  	(tag) =	ssettag $0x2  }
0x1ae: {  	s0 =	rddreg [dreg:$0x0];
	s2 =	stileid.u32  }
0x1af: {  	s1 =	rddreg [dreg:$0x1];
	p0 =	sne.s32 s2, $0x0  }
0x1b0: {  	s3 =	rddreg [dreg:$0x2];
	[bflag:$0x3] =	sbarrier.arrive $0xFFFF;
	s2 =	simm.s32 @!p0 $0x1C03  }
0x1b1: {  	[timem:s3], [sflag:s2] =	dma.local @!p0 [hbm:s0], s1  }
0x1b2: {  	s0 =	simm.s32 @!p0 $0x3  }
0x1b3: {  	_ =	swait.ge @!p0 [sflag:s0], s1  }
0x1b4: {  	s1 =	ssub.s32 @!p0 $0x0, s1;
	[sflag:s0] =	ssyncset.done @!p0 $0x0  }
0x1b5: {  	[sflag:s0] =	ssyncadd.s32 @!p0 s1  }
0x1b6: {  	[bflag:$0x3] =	sbarrier.arrive $0xFFFF  }
0x1b7: {  	_ =	shalt  }

</sc_bundles>
